<compile_context>
chip_gen: v7x
topology: tpu7x:2x2x1
jax: 0.10.2.dev20260603
libtpu: 0.0.44.dev20260713+nightly
codegen_flags: <defaults>
</compile_context>

<pallas_src>
import jax
import jax.numpy as jnp
from jax import lax
from jax.experimental import pallas as pl
from jax.experimental.pallas import tpu as pltpu
from jax.experimental.pallas import tpu_sc as plsc

VOCAB = 100000
DIM = 128
B = 4096
L = 50

NC = 2
NS = 16
NW = NC * NS

BPW = B // NW
CHUNK = BPW
NBUF = 5
ROUNDS = L // NBUF


def _body(words_hbm, pre_hbm, trn_hbm, out_hbm, idx_v, *rest):
    bufs = rest[0:NBUF]
    semg = rest[NBUF : 2 * NBUF]
    sema = rest[2 * NBUF : 3 * NBUF]
    semo = rest[3 * NBUF : 4 * NBUF]

    wid = lax.axis_index("s") * NC + lax.axis_index("c")
    brow0 = wid * BPW

    pltpu.sync_copy(words_hbm.at[:, pl.ds(brow0, BPW)], idx_v)

    def fire_g1(l, b):
        pltpu.async_copy(pre_hbm.at[idx_v.at[l]], bufs[b], semg[b])

    def wait_g1(l, b):
        pltpu.make_async_copy(pre_hbm.at[idx_v.at[l]], bufs[b], semg[b]).wait()

    def fire_g2(l, b):
        pltpu.async_copy(trn_hbm.at[idx_v.at[l]], bufs[b], sema[b], add=True)

    def wait_g2(l, b):
        pltpu.make_async_copy(trn_hbm.at[idx_v.at[l]], bufs[b], sema[b]).wait()

    def fire_out(l, b):
        pltpu.async_copy(bufs[b], out_hbm.at[l, pl.ds(brow0, BPW)], semo[b])

    def wait_out(b):
        pltpu.make_async_copy(bufs[b], out_hbm.at[0, pl.ds(brow0, BPW)], semo[b]).wait()

    for b in range(NBUF):
        fire_g1(b, b)

    def round_body(g, carry):
        l0 = g * NBUF
        for b in range(NBUF):
            wait_g1(l0 + b, b)
            fire_g2(l0 + b, b)
        for b in range(NBUF):
            wait_g2(l0 + b, b)
            fire_out(l0 + b, b)
        for b in range(NBUF):
            wait_out(b)
            fire_g1(l0 + b + NBUF, b)
        return carry

    lax.fori_loop(0, ROUNDS - 1, round_body, 0)

    l0 = (ROUNDS - 1) * NBUF
    for b in range(NBUF):
        wait_g1(l0 + b, b)
        fire_g2(l0 + b, b)
    for b in range(NBUF):
        wait_g2(l0 + b, b)
        fire_out(l0 + b, b)
    for b in range(NBUF):
        wait_out(b)


@jax.jit
def _run(words, pre, trn):
    mesh = plsc.VectorSubcoreMesh(
        core_axis_name="c", subcore_axis_name="s", num_cores=NC, num_subcores=NS
    )
    f = pl.kernel(
        _body,
        out_type=jax.ShapeDtypeStruct((L, B, DIM), jnp.float32),
        mesh=mesh,
        scratch_types=(
            [pltpu.VMEM((L, BPW), jnp.int32)]
            + [pltpu.VMEM((CHUNK, DIM), jnp.float32) for _ in range(NBUF)]
            + [pltpu.SemaphoreType.DMA for _ in range(3 * NBUF)]
        ),
    )
    out_lbd = f(jnp.transpose(words), pre, trn)
    return jnp.transpose(out_lbd, (1, 0, 2))


def kernel(words, pretrained_weight, trainable_weight):
    return _run(words, pretrained_weight, trainable_weight)

# --- scband reference (transcript-rebuilt; emitter-appended) ---
"""Pipeline reference for scband-partial-trainable-embedding-48576080118499 (READ-ONLY COPY).

The authoritative reference and input builder live on the scoring server;
editing this copy changes nothing except your own understanding.
"""

import jax, jax.numpy as jnp
import numpy as np

VOCAB = 100000
DIM = 128
B = 4096
L = 50


def setup_inputs(seed: int = 0) -> dict:
    key = jax.random.key(seed)
    k_words, k_pre = jax.random.split(key)
    # forward arg
    words = jax.random.randint(k_words, (B, L), 0, VOCAB, dtype=jnp.int32)
    # pretrained embedding table, normalized by global std (normalize_method='all')
    pretrained_weight = jax.random.normal(k_pre, (VOCAB, DIM), dtype=jnp.float32)
    pretrained_weight = pretrained_weight / jnp.std(pretrained_weight)
    # trainable embedding table, initialized with nn.init.zeros_ per the module
    trainable_weight = jnp.zeros((VOCAB, DIM), dtype=jnp.float32)
    return {"words": words, "pretrained_weight": pretrained_weight, "trainable_weight": trainable_weight}


def reference(words, pretrained_weight, trainable_weight):
    # forward: trainable_embedding(words) + pretrained_embedding(words)
    trainable_out = jnp.take(trainable_weight, words, axis=0)
    pretrained_out = jnp.take(pretrained_weight, words, axis=0)
    return trainable_out + pretrained_out

if __name__ == "__main__":
    import jax
    _d = setup_inputs()
    print(jax.jit(kernel)(*tuple(_d.values())))

</pallas_src>

<mosaic_0001>
#map = affine_map<(d0, d1) -> (0, 0)>
#map1 = affine_map<(d0, d1) -> (0, 0, 0)>
module attributes {stable_mosaic.version = 14 : i64} {
  func.func @_body(%arg0: i32, %arg1: i32, %arg2: memref<50x4096xi32, #tpu.memory_space<hbm>>, %arg3: memref<100000x128xf32, #tpu.memory_space<hbm>>, %arg4: memref<100000x128xf32, #tpu.memory_space<hbm>>, %arg5: memref<50x4096x128xf32, #tpu.memory_space<hbm>>, %arg6: memref<50x128xi32, #tpu.memory_space<vmem>>, %arg7: memref<128x128xf32, #tpu.memory_space<vmem>>, %arg8: memref<128x128xf32, #tpu.memory_space<vmem>>, %arg9: memref<128x128xf32, #tpu.memory_space<vmem>>, %arg10: memref<128x128xf32, #tpu.memory_space<vmem>>, %arg11: memref<128x128xf32, #tpu.memory_space<vmem>>, %arg12: memref<!tpu.dma_semaphore, #tpu.memory_space<semaphore_mem>>, %arg13: memref<!tpu.dma_semaphore, #tpu.memory_space<semaphore_mem>>, %arg14: memref<!tpu.dma_semaphore, #tpu.memory_space<semaphore_mem>>, %arg15: memref<!tpu.dma_semaphore, #tpu.memory_space<semaphore_mem>>, %arg16: memref<!tpu.dma_semaphore, #tpu.memory_space<semaphore_mem>>, %arg17: memref<!tpu.dma_semaphore, #tpu.memory_space<semaphore_mem>>, %arg18: memref<!tpu.dma_semaphore, #tpu.memory_space<semaphore_mem>>, %arg19: memref<!tpu.dma_semaphore, #tpu.memory_space<semaphore_mem>>, %arg20: memref<!tpu.dma_semaphore, #tpu.memory_space<semaphore_mem>>, %arg21: memref<!tpu.dma_semaphore, #tpu.memory_space<semaphore_mem>>, %arg22: memref<!tpu.dma_semaphore, #tpu.memory_space<semaphore_mem>>, %arg23: memref<!tpu.dma_semaphore, #tpu.memory_space<semaphore_mem>>, %arg24: memref<!tpu.dma_semaphore, #tpu.memory_space<semaphore_mem>>, %arg25: memref<!tpu.dma_semaphore, #tpu.memory_space<semaphore_mem>>, %arg26: memref<!tpu.dma_semaphore, #tpu.memory_space<semaphore_mem>>) attributes {dimension_semantics = [#tpu.dimension_semantics<core_parallel>, #tpu.dimension_semantics<subcore_parallel>], iteration_bounds = array<i64: 2, 16>, scalar_prefetch = 0 : i64, scratch_operands = 21 : i64, tpu.core_type = #tpu.core_type<sc_vector_subcore>, window_params = [{transform_indices = #map}, {transform_indices = #map}, {transform_indices = #map}, {transform_indices = #map1}]} {
    %mul3A = arith.constant 2 : i32
    %mul3A_0 = arith.muli %arg1, %mul3A : i32
    %add3A = arith.addi %mul3A_0, %arg0 : i32
    %mul3A_1 = arith.constant 128 : i32
    %mul3A_2 = arith.muli %add3A, %mul3A_1 : i32
    "tpu.region"() ({
      %run_scoped3A = tpu.sem_alloc : memref<!tpu.dma_semaphore, #tpu.memory_space<semaphore_mem>>
      %dma_start3A_216 = arith.constant 0 : i32
      %dma_start3A_217 = tpu.memref_slice %arg2[%dma_start3A_216, %mul3A_2] : memref<50x4096xi32, #tpu.memory_space<hbm>> -> memref<50x128xi32, #tpu.memory_space<hbm>>
      %dma_start3A_218 = arith.constant 0 : i32
      %dma_start3A_219 = tpu.memref_slice %arg2[%dma_start3A_218, %mul3A_2] : memref<50x4096xi32, #tpu.memory_space<hbm>> -> memref<50x128xi32, #tpu.memory_space<hbm>>
      tpu.enqueue_dma source(%dma_start3A_219 : memref<50x128xi32, #tpu.memory_space<hbm>>) target(%arg6 : memref<50x128xi32, #tpu.memory_space<vmem>>) target_semaphore(%run_scoped3A : memref<!tpu.dma_semaphore, #tpu.memory_space<semaphore_mem>>)
      %dma_wait3A_220 = arith.constant 0 : i32
      %dma_wait3A_221 = tpu.memref_slice %arg2[%dma_wait3A_220, %mul3A_2] : memref<50x4096xi32, #tpu.memory_space<hbm>> -> memref<50x128xi32, #tpu.memory_space<hbm>>
      %dma_wait3A_222 = arith.constant 0 : i32
      %dma_wait3A_223 = tpu.memref_slice %arg2[%dma_wait3A_222, %mul3A_2] : memref<50x4096xi32, #tpu.memory_space<hbm>> -> memref<50x128xi32, #tpu.memory_space<hbm>>
      tpu.wait_dma2 semaphore(%run_scoped3A : memref<!tpu.dma_semaphore, #tpu.memory_space<semaphore_mem>>) src(%dma_wait3A_223 : memref<50x128xi32, #tpu.memory_space<hbm>>) dst(%arg6 : memref<50x128xi32, #tpu.memory_space<vmem>>)
      tpu.yield
    }) : () -> ()
    %dma_start3A = arith.constant 0 : i32
    %dma_start3A_3 = arith.constant 0 : i32
    %dma_start3A_4 = tpu.memref_slice %arg6[%dma_start3A, %dma_start3A_3] : memref<50x128xi32, #tpu.memory_space<vmem>> -> memref<1x128xi32, #tpu.memory_space<vmem>>
    %dma_start3A_5 = tpu.memref_squeeze %dma_start3A_4 : memref<1x128xi32, #tpu.memory_space<vmem>> -> memref<128xi32, #tpu.memory_space<vmem>>
    %dma_start3A_6 = arith.constant 0 : i32
    %dma_start3A_7 = arith.constant 0 : i32
    %dma_start3A_8 = tpu.memref_slice %arg3[%dma_start3A_6, %dma_start3A_7] : memref<100000x128xf32, #tpu.memory_space<hbm>> -> memref<100000x128xf32, #tpu.memory_space<hbm>>
    tpu.enqueue_indirect_dma source(%dma_start3A_8 : memref<100000x128xf32, #tpu.memory_space<hbm>>) target(%arg7 : memref<128x128xf32, #tpu.memory_space<vmem>>) offsets(%dma_start3A_5 : memref<128xi32, #tpu.memory_space<vmem>>) semaphore(%arg12 : memref<!tpu.dma_semaphore, #tpu.memory_space<semaphore_mem>>)
    %dma_start3A_9 = arith.constant 1 : i32
    %dma_start3A_10 = arith.constant 0 : i32
    %dma_start3A_11 = tpu.memref_slice %arg6[%dma_start3A_9, %dma_start3A_10] : memref<50x128xi32, #tpu.memory_space<vmem>> -> memref<1x128xi32, #tpu.memory_space<vmem>>
    %dma_start3A_12 = tpu.memref_squeeze %dma_start3A_11 : memref<1x128xi32, #tpu.memory_space<vmem>> -> memref<128xi32, #tpu.memory_space<vmem>>
    %dma_start3A_13 = arith.constant 0 : i32
    %dma_start3A_14 = arith.constant 0 : i32
    %dma_start3A_15 = tpu.memref_slice %arg3[%dma_start3A_13, %dma_start3A_14] : memref<100000x128xf32, #tpu.memory_space<hbm>> -> memref<100000x128xf32, #tpu.memory_space<hbm>>
    tpu.enqueue_indirect_dma source(%dma_start3A_15 : memref<100000x128xf32, #tpu.memory_space<hbm>>) target(%arg8 : memref<128x128xf32, #tpu.memory_space<vmem>>) offsets(%dma_start3A_12 : memref<128xi32, #tpu.memory_space<vmem>>) semaphore(%arg13 : memref<!tpu.dma_semaphore, #tpu.memory_space<semaphore_mem>>)
    %dma_start3A_16 = arith.constant 2 : i32
    %dma_start3A_17 = arith.constant 0 : i32
    %dma_start3A_18 = tpu.memref_slice %arg6[%dma_start3A_16, %dma_start3A_17] : memref<50x128xi32, #tpu.memory_space<vmem>> -> memref<1x128xi32, #tpu.memory_space<vmem>>
    %dma_start3A_19 = tpu.memref_squeeze %dma_start3A_18 : memref<1x128xi32, #tpu.memory_space<vmem>> -> memref<128xi32, #tpu.memory_space<vmem>>
    %dma_start3A_20 = arith.constant 0 : i32
    %dma_start3A_21 = arith.constant 0 : i32
    %dma_start3A_22 = tpu.memref_slice %arg3[%dma_start3A_20, %dma_start3A_21] : memref<100000x128xf32, #tpu.memory_space<hbm>> -> memref<100000x128xf32, #tpu.memory_space<hbm>>
    tpu.enqueue_indirect_dma source(%dma_start3A_22 : memref<100000x128xf32, #tpu.memory_space<hbm>>) target(%arg9 : memref<128x128xf32, #tpu.memory_space<vmem>>) offsets(%dma_start3A_19 : memref<128xi32, #tpu.memory_space<vmem>>) semaphore(%arg14 : memref<!tpu.dma_semaphore, #tpu.memory_space<semaphore_mem>>)
    %dma_start3A_23 = arith.constant 3 : i32
    %dma_start3A_24 = arith.constant 0 : i32
    %dma_start3A_25 = tpu.memref_slice %arg6[%dma_start3A_23, %dma_start3A_24] : memref<50x128xi32, #tpu.memory_space<vmem>> -> memref<1x128xi32, #tpu.memory_space<vmem>>
    %dma_start3A_26 = tpu.memref_squeeze %dma_start3A_25 : memref<1x128xi32, #tpu.memory_space<vmem>> -> memref<128xi32, #tpu.memory_space<vmem>>
    %dma_start3A_27 = arith.constant 0 : i32
    %dma_start3A_28 = arith.constant 0 : i32
    %dma_start3A_29 = tpu.memref_slice %arg3[%dma_start3A_27, %dma_start3A_28] : memref<100000x128xf32, #tpu.memory_space<hbm>> -> memref<100000x128xf32, #tpu.memory_space<hbm>>
    tpu.enqueue_indirect_dma source(%dma_start3A_29 : memref<100000x128xf32, #tpu.memory_space<hbm>>) target(%arg10 : memref<128x128xf32, #tpu.memory_space<vmem>>) offsets(%dma_start3A_26 : memref<128xi32, #tpu.memory_space<vmem>>) semaphore(%arg15 : memref<!tpu.dma_semaphore, #tpu.memory_space<semaphore_mem>>)
    %dma_start3A_30 = arith.constant 4 : i32
    %dma_start3A_31 = arith.constant 0 : i32
    %dma_start3A_32 = tpu.memref_slice %arg6[%dma_start3A_30, %dma_start3A_31] : memref<50x128xi32, #tpu.memory_space<vmem>> -> memref<1x128xi32, #tpu.memory_space<vmem>>
    %dma_start3A_33 = tpu.memref_squeeze %dma_start3A_32 : memref<1x128xi32, #tpu.memory_space<vmem>> -> memref<128xi32, #tpu.memory_space<vmem>>
    %dma_start3A_34 = arith.constant 0 : i32
    %dma_start3A_35 = arith.constant 0 : i32
    %dma_start3A_36 = tpu.memref_slice %arg3[%dma_start3A_34, %dma_start3A_35] : memref<100000x128xf32, #tpu.memory_space<hbm>> -> memref<100000x128xf32, #tpu.memory_space<hbm>>
    tpu.enqueue_indirect_dma source(%dma_start3A_36 : memref<100000x128xf32, #tpu.memory_space<hbm>>) target(%arg11 : memref<128x128xf32, #tpu.memory_space<vmem>>) offsets(%dma_start3A_33 : memref<128xi32, #tpu.memory_space<vmem>>) semaphore(%arg16 : memref<!tpu.dma_semaphore, #tpu.memory_space<semaphore_mem>>)
    %scan3A = arith.constant 0 : i32
    %scan3A_37 = arith.constant 0 : i32
    %scan3A_38 = arith.constant 9 : i32
    %scan3A_39 = arith.addi %scan3A_37, %scan3A_38 : i32
    %scan3A_40 = arith.constant 1 : i32
    scf.for %scan3A_216 = %scan3A_37 to %scan3A_39 step %scan3A_40  : i32 {
      %mul3A_217 = arith.constant 5 : i32
      %mul3A_218 = arith.muli %scan3A_216, %mul3A_217 : i32
      %add3A_219 = arith.constant 0 : i32
      %add3A_220 = arith.addi %mul3A_218, %add3A_219 : i32
      %dma_wait3A_221 = arith.constant 0 : i32
      %dma_wait3A_222 = tpu.memref_slice %arg6[%add3A_220, %dma_wait3A_221] : memref<50x128xi32, #tpu.memory_space<vmem>> -> memref<1x128xi32, #tpu.memory_space<vmem>>
      %dma_wait3A_223 = tpu.memref_squeeze %dma_wait3A_222 : memref<1x128xi32, #tpu.memory_space<vmem>> -> memref<128xi32, #tpu.memory_space<vmem>>
      %dma_wait3A_224 = arith.constant 0 : i32
      %dma_wait3A_225 = arith.constant 0 : i32
      %dma_wait3A_226 = tpu.memref_slice %arg3[%dma_wait3A_224, %dma_wait3A_225] : memref<100000x128xf32, #tpu.memory_space<hbm>> -> memref<100000x128xf32, #tpu.memory_space<hbm>>
      tpu.wait_indirect_dma semaphore(%arg12 : memref<!tpu.dma_semaphore, #tpu.memory_space<semaphore_mem>>) src(%dma_wait3A_226 : memref<100000x128xf32, #tpu.memory_space<hbm>>) dst(%arg7 : memref<128x128xf32, #tpu.memory_space<vmem>>)
      %add3A_227 = arith.constant 0 : i32
      %add3A_228 = arith.addi %mul3A_218, %add3A_227 : i32
      %dma_start3A_229 = arith.constant 0 : i32
      %dma_start3A_230 = tpu.memref_slice %arg6[%add3A_228, %dma_start3A_229] : memref<50x128xi32, #tpu.memory_space<vmem>> -> memref<1x128xi32, #tpu.memory_space<vmem>>
      %dma_start3A_231 = tpu.memref_squeeze %dma_start3A_230 : memref<1x128xi32, #tpu.memory_space<vmem>> -> memref<128xi32, #tpu.memory_space<vmem>>
      %dma_start3A_232 = arith.constant 0 : i32
      %dma_start3A_233 = arith.constant 0 : i32
      %dma_start3A_234 = tpu.memref_slice %arg4[%dma_start3A_232, %dma_start3A_233] : memref<100000x128xf32, #tpu.memory_space<hbm>> -> memref<100000x128xf32, #tpu.memory_space<hbm>>
      tpu.enqueue_indirect_dma source(%dma_start3A_234 : memref<100000x128xf32, #tpu.memory_space<hbm>>) target(%arg7 : memref<128x128xf32, #tpu.memory_space<vmem>>) offsets(%dma_start3A_231 : memref<128xi32, #tpu.memory_space<vmem>>) semaphore(%arg17 : memref<!tpu.dma_semaphore, #tpu.memory_space<semaphore_mem>>) {add = true}
      %add3A_235 = arith.constant 1 : i32
      %add3A_236 = arith.addi %mul3A_218, %add3A_235 : i32
      %dma_wait3A_237 = arith.constant 0 : i32
      %dma_wait3A_238 = tpu.memref_slice %arg6[%add3A_236, %dma_wait3A_237] : memref<50x128xi32, #tpu.memory_space<vmem>> -> memref<1x128xi32, #tpu.memory_space<vmem>>
      %dma_wait3A_239 = tpu.memref_squeeze %dma_wait3A_238 : memref<1x128xi32, #tpu.memory_space<vmem>> -> memref<128xi32, #tpu.memory_space<vmem>>
      %dma_wait3A_240 = arith.constant 0 : i32
      %dma_wait3A_241 = arith.constant 0 : i32
      %dma_wait3A_242 = tpu.memref_slice %arg3[%dma_wait3A_240, %dma_wait3A_241] : memref<100000x128xf32, #tpu.memory_space<hbm>> -> memref<100000x128xf32, #tpu.memory_space<hbm>>
      tpu.wait_indirect_dma semaphore(%arg13 : memref<!tpu.dma_semaphore, #tpu.memory_space<semaphore_mem>>) src(%dma_wait3A_242 : memref<100000x128xf32, #tpu.memory_space<hbm>>) dst(%arg8 : memref<128x128xf32, #tpu.memory_space<vmem>>)
      %add3A_243 = arith.constant 1 : i32
      %add3A_244 = arith.addi %mul3A_218, %add3A_243 : i32
      %dma_start3A_245 = arith.constant 0 : i32
      %dma_start3A_246 = tpu.memref_slice %arg6[%add3A_244, %dma_start3A_245] : memref<50x128xi32, #tpu.memory_space<vmem>> -> memref<1x128xi32, #tpu.memory_space<vmem>>
      %dma_start3A_247 = tpu.memref_squeeze %dma_start3A_246 : memref<1x128xi32, #tpu.memory_space<vmem>> -> memref<128xi32, #tpu.memory_space<vmem>>
      %dma_start3A_248 = arith.constant 0 : i32
      %dma_start3A_249 = arith.constant 0 : i32
      %dma_start3A_250 = tpu.memref_slice %arg4[%dma_start3A_248, %dma_start3A_249] : memref<100000x128xf32, #tpu.memory_space<hbm>> -> memref<100000x128xf32, #tpu.memory_space<hbm>>
      tpu.enqueue_indirect_dma source(%dma_start3A_250 : memref<100000x128xf32, #tpu.memory_space<hbm>>) target(%arg8 : memref<128x128xf32, #tpu.memory_space<vmem>>) offsets(%dma_start3A_247 : memref<128xi32, #tpu.memory_space<vmem>>) semaphore(%arg18 : memref<!tpu.dma_semaphore, #tpu.memory_space<semaphore_mem>>) {add = true}
      %add3A_251 = arith.constant 2 : i32
      %add3A_252 = arith.addi %mul3A_218, %add3A_251 : i32
      %dma_wait3A_253 = arith.constant 0 : i32
      %dma_wait3A_254 = tpu.memref_slice %arg6[%add3A_252, %dma_wait3A_253] : memref<50x128xi32, #tpu.memory_space<vmem>> -> memref<1x128xi32, #tpu.memory_space<vmem>>
      %dma_wait3A_255 = tpu.memref_squeeze %dma_wait3A_254 : memref<1x128xi32, #tpu.memory_space<vmem>> -> memref<128xi32, #tpu.memory_space<vmem>>
      %dma_wait3A_256 = arith.constant 0 : i32
      %dma_wait3A_257 = arith.constant 0 : i32
      %dma_wait3A_258 = tpu.memref_slice %arg3[%dma_wait3A_256, %dma_wait3A_257] : memref<100000x128xf32, #tpu.memory_space<hbm>> -> memref<100000x128xf32, #tpu.memory_space<hbm>>
      tpu.wait_indirect_dma semaphore(%arg14 : memref<!tpu.dma_semaphore, #tpu.memory_space<semaphore_mem>>) src(%dma_wait3A_258 : memref<100000x128xf32, #tpu.memory_space<hbm>>) dst(%arg9 : memref<128x128xf32, #tpu.memory_space<vmem>>)
      %add3A_259 = arith.constant 2 : i32
      %add3A_260 = arith.addi %mul3A_218, %add3A_259 : i32
      %dma_start3A_261 = arith.constant 0 : i32
      %dma_start3A_262 = tpu.memref_slice %arg6[%add3A_260, %dma_start3A_261] : memref<50x128xi32, #tpu.memory_space<vmem>> -> memref<1x128xi32, #tpu.memory_space<vmem>>
      %dma_start3A_263 = tpu.memref_squeeze %dma_start3A_262 : memref<1x128xi32, #tpu.memory_space<vmem>> -> memref<128xi32, #tpu.memory_space<vmem>>
      %dma_start3A_264 = arith.constant 0 : i32
      %dma_start3A_265 = arith.constant 0 : i32
      %dma_start3A_266 = tpu.memref_slice %arg4[%dma_start3A_264, %dma_start3A_265] : memref<100000x128xf32, #tpu.memory_space<hbm>> -> memref<100000x128xf32, #tpu.memory_space<hbm>>
      tpu.enqueue_indirect_dma source(%dma_start3A_266 : memref<100000x128xf32, #tpu.memory_space<hbm>>) target(%arg9 : memref<128x128xf32, #tpu.memory_space<vmem>>) offsets(%dma_start3A_263 : memref<128xi32, #tpu.memory_space<vmem>>) semaphore(%arg19 : memref<!tpu.dma_semaphore, #tpu.memory_space<semaphore_mem>>) {add = true}
      %add3A_267 = arith.constant 3 : i32
      %add3A_268 = arith.addi %mul3A_218, %add3A_267 : i32
      %dma_wait3A_269 = arith.constant 0 : i32
      %dma_wait3A_270 = tpu.memref_slice %arg6[%add3A_268, %dma_wait3A_269] : memref<50x128xi32, #tpu.memory_space<vmem>> -> memref<1x128xi32, #tpu.memory_space<vmem>>
      %dma_wait3A_271 = tpu.memref_squeeze %dma_wait3A_270 : memref<1x128xi32, #tpu.memory_space<vmem>> -> memref<128xi32, #tpu.memory_space<vmem>>
      %dma_wait3A_272 = arith.constant 0 : i32
      %dma_wait3A_273 = arith.constant 0 : i32
      %dma_wait3A_274 = tpu.memref_slice %arg3[%dma_wait3A_272, %dma_wait3A_273] : memref<100000x128xf32, #tpu.memory_space<hbm>> -> memref<100000x128xf32, #tpu.memory_space<hbm>>
      tpu.wait_indirect_dma semaphore(%arg15 : memref<!tpu.dma_semaphore, #tpu.memory_space<semaphore_mem>>) src(%dma_wait3A_274 : memref<100000x128xf32, #tpu.memory_space<hbm>>) dst(%arg10 : memref<128x128xf32, #tpu.memory_space<vmem>>)
      %add3A_275 = arith.constant 3 : i32
      %add3A_276 = arith.addi %mul3A_218, %add3A_275 : i32
      %dma_start3A_277 = arith.constant 0 : i32
      %dma_start3A_278 = tpu.memref_slice %arg6[%add3A_276, %dma_start3A_277] : memref<50x128xi32, #tpu.memory_space<vmem>> -> memref<1x128xi32, #tpu.memory_space<vmem>>
      %dma_start3A_279 = tpu.memref_squeeze %dma_start3A_278 : memref<1x128xi32, #tpu.memory_space<vmem>> -> memref<128xi32, #tpu.memory_space<vmem>>
      %dma_start3A_280 = arith.constant 0 : i32
      %dma_start3A_281 = arith.constant 0 : i32
      %dma_start3A_282 = tpu.memref_slice %arg4[%dma_start3A_280, %dma_start3A_281] : memref<100000x128xf32, #tpu.memory_space<hbm>> -> memref<100000x128xf32, #tpu.memory_space<hbm>>
      tpu.enqueue_indirect_dma source(%dma_start3A_282 : memref<100000x128xf32, #tpu.memory_space<hbm>>) target(%arg10 : memref<128x128xf32, #tpu.memory_space<vmem>>) offsets(%dma_start3A_279 : memref<128xi32, #tpu.memory_space<vmem>>) semaphore(%arg20 : memref<!tpu.dma_semaphore, #tpu.memory_space<semaphore_mem>>) {add = true}
      %add3A_283 = arith.constant 4 : i32
      %add3A_284 = arith.addi %mul3A_218, %add3A_283 : i32
      %dma_wait3A_285 = arith.constant 0 : i32
      %dma_wait3A_286 = tpu.memref_slice %arg6[%add3A_284, %dma_wait3A_285] : memref<50x128xi32, #tpu.memory_space<vmem>> -> memref<1x128xi32, #tpu.memory_space<vmem>>
      %dma_wait3A_287 = tpu.memref_squeeze %dma_wait3A_286 : memref<1x128xi32, #tpu.memory_space<vmem>> -> memref<128xi32, #tpu.memory_space<vmem>>
      %dma_wait3A_288 = arith.constant 0 : i32
      %dma_wait3A_289 = arith.constant 0 : i32
      %dma_wait3A_290 = tpu.memref_slice %arg3[%dma_wait3A_288, %dma_wait3A_289] : memref<100000x128xf32, #tpu.memory_space<hbm>> -> memref<100000x128xf32, #tpu.memory_space<hbm>>
      tpu.wait_indirect_dma semaphore(%arg16 : memref<!tpu.dma_semaphore, #tpu.memory_space<semaphore_mem>>) src(%dma_wait3A_290 : memref<100000x128xf32, #tpu.memory_space<hbm>>) dst(%arg11 : memref<128x128xf32, #tpu.memory_space<vmem>>)
      %add3A_291 = arith.constant 4 : i32
      %add3A_292 = arith.addi %mul3A_218, %add3A_291 : i32
      %dma_start3A_293 = arith.constant 0 : i32
      %dma_start3A_294 = tpu.memref_slice %arg6[%add3A_292, %dma_start3A_293] : memref<50x128xi32, #tpu.memory_space<vmem>> -> memref<1x128xi32, #tpu.memory_space<vmem>>
      %dma_start3A_295 = tpu.memref_squeeze %dma_start3A_294 : memref<1x128xi32, #tpu.memory_space<vmem>> -> memref<128xi32, #tpu.memory_space<vmem>>
      %dma_start3A_296 = arith.constant 0 : i32
      %dma_start3A_297 = arith.constant 0 : i32
      %dma_start3A_298 = tpu.memref_slice %arg4[%dma_start3A_296, %dma_start3A_297] : memref<100000x128xf32, #tpu.memory_space<hbm>> -> memref<100000x128xf32, #tpu.memory_space<hbm>>
      tpu.enqueue_indirect_dma source(%dma_start3A_298 : memref<100000x128xf32, #tpu.memory_space<hbm>>) target(%arg11 : memref<128x128xf32, #tpu.memory_space<vmem>>) offsets(%dma_start3A_295 : memref<128xi32, #tpu.memory_space<vmem>>) semaphore(%arg21 : memref<!tpu.dma_semaphore, #tpu.memory_space<semaphore_mem>>) {add = true}
      %add3A_299 = arith.constant 0 : i32
      %add3A_300 = arith.addi %mul3A_218, %add3A_299 : i32
      %dma_wait3A_301 = arith.constant 0 : i32
      %dma_wait3A_302 = tpu.memref_slice %arg6[%add3A_300, %dma_wait3A_301] : memref<50x128xi32, #tpu.memory_space<vmem>> -> memref<1x128xi32, #tpu.memory_space<vmem>>
      %dma_wait3A_303 = tpu.memref_squeeze %dma_wait3A_302 : memref<1x128xi32, #tpu.memory_space<vmem>> -> memref<128xi32, #tpu.memory_space<vmem>>
      %dma_wait3A_304 = arith.constant 0 : i32
      %dma_wait3A_305 = arith.constant 0 : i32
      %dma_wait3A_306 = tpu.memref_slice %arg4[%dma_wait3A_304, %dma_wait3A_305] : memref<100000x128xf32, #tpu.memory_space<hbm>> -> memref<100000x128xf32, #tpu.memory_space<hbm>>
      tpu.wait_indirect_dma semaphore(%arg17 : memref<!tpu.dma_semaphore, #tpu.memory_space<semaphore_mem>>) src(%dma_wait3A_306 : memref<100000x128xf32, #tpu.memory_space<hbm>>) dst(%arg7 : memref<128x128xf32, #tpu.memory_space<vmem>>)
      %add3A_307 = arith.constant 0 : i32
      %add3A_308 = arith.addi %mul3A_218, %add3A_307 : i32
      %dma_start3A_309 = arith.constant 0 : i32
      %dma_start3A_310 = tpu.memref_slice %arg5[%add3A_308, %mul3A_2, %dma_start3A_309] : memref<50x4096x128xf32, #tpu.memory_space<hbm>> -> memref<1x128x128xf32, #tpu.memory_space<hbm>>
      %dma_start3A_311 = tpu.memref_squeeze %dma_start3A_310 : memref<1x128x128xf32, #tpu.memory_space<hbm>> -> memref<128x128xf32, #tpu.memory_space<hbm>>
      %dma_start3A_312 = arith.constant 0 : i32
      %dma_start3A_313 = tpu.memref_slice %arg5[%add3A_308, %mul3A_2, %dma_start3A_312] : memref<50x4096x128xf32, #tpu.memory_space<hbm>> -> memref<1x128x128xf32, #tpu.memory_space<hbm>>
      %dma_start3A_314 = tpu.memref_squeeze %dma_start3A_313 : memref<1x128x128xf32, #tpu.memory_space<hbm>> -> memref<128x128xf32, #tpu.memory_space<hbm>>
      tpu.enqueue_dma source(%arg7 : memref<128x128xf32, #tpu.memory_space<vmem>>) target(%dma_start3A_314 : memref<128x128xf32, #tpu.memory_space<hbm>>) target_semaphore(%arg22 : memref<!tpu.dma_semaphore, #tpu.memory_space<semaphore_mem>>)
      %add3A_315 = arith.constant 1 : i32
      %add3A_316 = arith.addi %mul3A_218, %add3A_315 : i32
      %dma_wait3A_317 = arith.constant 0 : i32
      %dma_wait3A_318 = tpu.memref_slice %arg6[%add3A_316, %dma_wait3A_317] : memref<50x128xi32, #tpu.memory_space<vmem>> -> memref<1x128xi32, #tpu.memory_space<vmem>>
      %dma_wait3A_319 = tpu.memref_squeeze %dma_wait3A_318 : memref<1x128xi32, #tpu.memory_space<vmem>> -> memref<128xi32, #tpu.memory_space<vmem>>
      %dma_wait3A_320 = arith.constant 0 : i32
      %dma_wait3A_321 = arith.constant 0 : i32
      %dma_wait3A_322 = tpu.memref_slice %arg4[%dma_wait3A_320, %dma_wait3A_321] : memref<100000x128xf32, #tpu.memory_space<hbm>> -> memref<100000x128xf32, #tpu.memory_space<hbm>>
      tpu.wait_indirect_dma semaphore(%arg18 : memref<!tpu.dma_semaphore, #tpu.memory_space<semaphore_mem>>) src(%dma_wait3A_322 : memref<100000x128xf32, #tpu.memory_space<hbm>>) dst(%arg8 : memref<128x128xf32, #tpu.memory_space<vmem>>)
      %add3A_323 = arith.constant 1 : i32
      %add3A_324 = arith.addi %mul3A_218, %add3A_323 : i32
      %dma_start3A_325 = arith.constant 0 : i32
      %dma_start3A_326 = tpu.memref_slice %arg5[%add3A_324, %mul3A_2, %dma_start3A_325] : memref<50x4096x128xf32, #tpu.memory_space<hbm>> -> memref<1x128x128xf32, #tpu.memory_space<hbm>>
      %dma_start3A_327 = tpu.memref_squeeze %dma_start3A_326 : memref<1x128x128xf32, #tpu.memory_space<hbm>> -> memref<128x128xf32, #tpu.memory_space<hbm>>
      %dma_start3A_328 = arith.constant 0 : i32
      %dma_start3A_329 = tpu.memref_slice %arg5[%add3A_324, %mul3A_2, %dma_start3A_328] : memref<50x4096x128xf32, #tpu.memory_space<hbm>> -> memref<1x128x128xf32, #tpu.memory_space<hbm>>
      %dma_start3A_330 = tpu.memref_squeeze %dma_start3A_329 : memref<1x128x128xf32, #tpu.memory_space<hbm>> -> memref<128x128xf32, #tpu.memory_space<hbm>>
      tpu.enqueue_dma source(%arg8 : memref<128x128xf32, #tpu.memory_space<vmem>>) target(%dma_start3A_330 : memref<128x128xf32, #tpu.memory_space<hbm>>) target_semaphore(%arg23 : memref<!tpu.dma_semaphore, #tpu.memory_space<semaphore_mem>>)
      %add3A_331 = arith.constant 2 : i32
      %add3A_332 = arith.addi %mul3A_218, %add3A_331 : i32
      %dma_wait3A_333 = arith.constant 0 : i32
      %dma_wait3A_334 = tpu.memref_slice %arg6[%add3A_332, %dma_wait3A_333] : memref<50x128xi32, #tpu.memory_space<vmem>> -> memref<1x128xi32, #tpu.memory_space<vmem>>
      %dma_wait3A_335 = tpu.memref_squeeze %dma_wait3A_334 : memref<1x128xi32, #tpu.memory_space<vmem>> -> memref<128xi32, #tpu.memory_space<vmem>>
      %dma_wait3A_336 = arith.constant 0 : i32
      %dma_wait3A_337 = arith.constant 0 : i32
      %dma_wait3A_338 = tpu.memref_slice %arg4[%dma_wait3A_336, %dma_wait3A_337] : memref<100000x128xf32, #tpu.memory_space<hbm>> -> memref<100000x128xf32, #tpu.memory_space<hbm>>
      tpu.wait_indirect_dma semaphore(%arg19 : memref<!tpu.dma_semaphore, #tpu.memory_space<semaphore_mem>>) src(%dma_wait3A_338 : memref<100000x128xf32, #tpu.memory_space<hbm>>) dst(%arg9 : memref<128x128xf32, #tpu.memory_space<vmem>>)
      %add3A_339 = arith.constant 2 : i32
      %add3A_340 = arith.addi %mul3A_218, %add3A_339 : i32
      %dma_start3A_341 = arith.constant 0 : i32
      %dma_start3A_342 = tpu.memref_slice %arg5[%add3A_340, %mul3A_2, %dma_start3A_341] : memref<50x4096x128xf32, #tpu.memory_space<hbm>> -> memref<1x128x128xf32, #tpu.memory_space<hbm>>
      %dma_start3A_343 = tpu.memref_squeeze %dma_start3A_342 : memref<1x128x128xf32, #tpu.memory_space<hbm>> -> memref<128x128xf32, #tpu.memory_space<hbm>>
      %dma_start3A_344 = arith.constant 0 : i32
      %dma_start3A_345 = tpu.memref_slice %arg5[%add3A_340, %mul3A_2, %dma_start3A_344] : memref<50x4096x128xf32, #tpu.memory_space<hbm>> -> memref<1x128x128xf32, #tpu.memory_space<hbm>>
      %dma_start3A_346 = tpu.memref_squeeze %dma_start3A_345 : memref<1x128x128xf32, #tpu.memory_space<hbm>> -> memref<128x128xf32, #tpu.memory_space<hbm>>
      tpu.enqueue_dma source(%arg9 : memref<128x128xf32, #tpu.memory_space<vmem>>) target(%dma_start3A_346 : memref<128x128xf32, #tpu.memory_space<hbm>>) target_semaphore(%arg24 : memref<!tpu.dma_semaphore, #tpu.memory_space<semaphore_mem>>)
      %add3A_347 = arith.constant 3 : i32
      %add3A_348 = arith.addi %mul3A_218, %add3A_347 : i32
      %dma_wait3A_349 = arith.constant 0 : i32
      %dma_wait3A_350 = tpu.memref_slice %arg6[%add3A_348, %dma_wait3A_349] : memref<50x128xi32, #tpu.memory_space<vmem>> -> memref<1x128xi32, #tpu.memory_space<vmem>>
      %dma_wait3A_351 = tpu.memref_squeeze %dma_wait3A_350 : memref<1x128xi32, #tpu.memory_space<vmem>> -> memref<128xi32, #tpu.memory_space<vmem>>
      %dma_wait3A_352 = arith.constant 0 : i32
      %dma_wait3A_353 = arith.constant 0 : i32
      %dma_wait3A_354 = tpu.memref_slice %arg4[%dma_wait3A_352, %dma_wait3A_353] : memref<100000x128xf32, #tpu.memory_space<hbm>> -> memref<100000x128xf32, #tpu.memory_space<hbm>>
      tpu.wait_indirect_dma semaphore(%arg20 : memref<!tpu.dma_semaphore, #tpu.memory_space<semaphore_mem>>) src(%dma_wait3A_354 : memref<100000x128xf32, #tpu.memory_space<hbm>>) dst(%arg10 : memref<128x128xf32, #tpu.memory_space<vmem>>)
      %add3A_355 = arith.constant 3 : i32
      %add3A_356 = arith.addi %mul3A_218, %add3A_355 : i32
      %dma_start3A_357 = arith.constant 0 : i32
      %dma_start3A_358 = tpu.memref_slice %arg5[%add3A_356, %mul3A_2, %dma_start3A_357] : memref<50x4096x128xf32, #tpu.memory_space<hbm>> -> memref<1x128x128xf32, #tpu.memory_space<hbm>>
      %dma_start3A_359 = tpu.memref_squeeze %dma_start3A_358 : memref<1x128x128xf32, #tpu.memory_space<hbm>> -> memref<128x128xf32, #tpu.memory_space<hbm>>
      %dma_start3A_360 = arith.constant 0 : i32
      %dma_start3A_361 = tpu.memref_slice %arg5[%add3A_356, %mul3A_2, %dma_start3A_360] : memref<50x4096x128xf32, #tpu.memory_space<hbm>> -> memref<1x128x128xf32, #tpu.memory_space<hbm>>
      %dma_start3A_362 = tpu.memref_squeeze %dma_start3A_361 : memref<1x128x128xf32, #tpu.memory_space<hbm>> -> memref<128x128xf32, #tpu.memory_space<hbm>>
      tpu.enqueue_dma source(%arg10 : memref<128x128xf32, #tpu.memory_space<vmem>>) target(%dma_start3A_362 : memref<128x128xf32, #tpu.memory_space<hbm>>) target_semaphore(%arg25 : memref<!tpu.dma_semaphore, #tpu.memory_space<semaphore_mem>>)
      %add3A_363 = arith.constant 4 : i32
      %add3A_364 = arith.addi %mul3A_218, %add3A_363 : i32
      %dma_wait3A_365 = arith.constant 0 : i32
      %dma_wait3A_366 = tpu.memref_slice %arg6[%add3A_364, %dma_wait3A_365] : memref<50x128xi32, #tpu.memory_space<vmem>> -> memref<1x128xi32, #tpu.memory_space<vmem>>
      %dma_wait3A_367 = tpu.memref_squeeze %dma_wait3A_366 : memref<1x128xi32, #tpu.memory_space<vmem>> -> memref<128xi32, #tpu.memory_space<vmem>>
      %dma_wait3A_368 = arith.constant 0 : i32
      %dma_wait3A_369 = arith.constant 0 : i32
      %dma_wait3A_370 = tpu.memref_slice %arg4[%dma_wait3A_368, %dma_wait3A_369] : memref<100000x128xf32, #tpu.memory_space<hbm>> -> memref<100000x128xf32, #tpu.memory_space<hbm>>
      tpu.wait_indirect_dma semaphore(%arg21 : memref<!tpu.dma_semaphore, #tpu.memory_space<semaphore_mem>>) src(%dma_wait3A_370 : memref<100000x128xf32, #tpu.memory_space<hbm>>) dst(%arg11 : memref<128x128xf32, #tpu.memory_space<vmem>>)
      %add3A_371 = arith.constant 4 : i32
      %add3A_372 = arith.addi %mul3A_218, %add3A_371 : i32
      %dma_start3A_373 = arith.constant 0 : i32
      %dma_start3A_374 = tpu.memref_slice %arg5[%add3A_372, %mul3A_2, %dma_start3A_373] : memref<50x4096x128xf32, #tpu.memory_space<hbm>> -> memref<1x128x128xf32, #tpu.memory_space<hbm>>
      %dma_start3A_375 = tpu.memref_squeeze %dma_start3A_374 : memref<1x128x128xf32, #tpu.memory_space<hbm>> -> memref<128x128xf32, #tpu.memory_space<hbm>>
      %dma_start3A_376 = arith.constant 0 : i32
      %dma_start3A_377 = tpu.memref_slice %arg5[%add3A_372, %mul3A_2, %dma_start3A_376] : memref<50x4096x128xf32, #tpu.memory_space<hbm>> -> memref<1x128x128xf32, #tpu.memory_space<hbm>>
      %dma_start3A_378 = tpu.memref_squeeze %dma_start3A_377 : memref<1x128x128xf32, #tpu.memory_space<hbm>> -> memref<128x128xf32, #tpu.memory_space<hbm>>
      tpu.enqueue_dma source(%arg11 : memref<128x128xf32, #tpu.memory_space<vmem>>) target(%dma_start3A_378 : memref<128x128xf32, #tpu.memory_space<hbm>>) target_semaphore(%arg26 : memref<!tpu.dma_semaphore, #tpu.memory_space<semaphore_mem>>)
      %dma_wait3A_379 = arith.constant 0 : i32
      %dma_wait3A_380 = arith.constant 0 : i32
      %dma_wait3A_381 = tpu.memref_slice %arg5[%dma_wait3A_379, %mul3A_2, %dma_wait3A_380] : memref<50x4096x128xf32, #tpu.memory_space<hbm>> -> memref<1x128x128xf32, #tpu.memory_space<hbm>>
      %dma_wait3A_382 = tpu.memref_squeeze %dma_wait3A_381 : memref<1x128x128xf32, #tpu.memory_space<hbm>> -> memref<128x128xf32, #tpu.memory_space<hbm>>
      %dma_wait3A_383 = arith.constant 0 : i32
      %dma_wait3A_384 = tpu.memref_slice %arg5[%dma_wait3A_379, %mul3A_2, %dma_wait3A_383] : memref<50x4096x128xf32, #tpu.memory_space<hbm>> -> memref<1x128x128xf32, #tpu.memory_space<hbm>>
      %dma_wait3A_385 = tpu.memref_squeeze %dma_wait3A_384 : memref<1x128x128xf32, #tpu.memory_space<hbm>> -> memref<128x128xf32, #tpu.memory_space<hbm>>
      tpu.wait_dma2 semaphore(%arg22 : memref<!tpu.dma_semaphore, #tpu.memory_space<semaphore_mem>>) src(%arg7 : memref<128x128xf32, #tpu.memory_space<vmem>>) dst(%dma_wait3A_385 : memref<128x128xf32, #tpu.memory_space<hbm>>)
      %add3A_386 = arith.constant 0 : i32
      %add3A_387 = arith.addi %mul3A_218, %add3A_386 : i32
      %add3A_388 = arith.constant 5 : i32
      %add3A_389 = arith.addi %add3A_387, %add3A_388 : i32
      %dma_start3A_390 = arith.constant 0 : i32
      %dma_start3A_391 = tpu.memref_slice %arg6[%add3A_389, %dma_start3A_390] : memref<50x128xi32, #tpu.memory_space<vmem>> -> memref<1x128xi32, #tpu.memory_space<vmem>>
      %dma_start3A_392 = tpu.memref_squeeze %dma_start3A_391 : memref<1x128xi32, #tpu.memory_space<vmem>> -> memref<128xi32, #tpu.memory_space<vmem>>
      %dma_start3A_393 = arith.constant 0 : i32
      %dma_start3A_394 = arith.constant 0 : i32
      %dma_start3A_395 = tpu.memref_slice %arg3[%dma_start3A_393, %dma_start3A_394] : memref<100000x128xf32, #tpu.memory_space<hbm>> -> memref<100000x128xf32, #tpu.memory_space<hbm>>
      tpu.enqueue_indirect_dma source(%dma_start3A_395 : memref<100000x128xf32, #tpu.memory_space<hbm>>) target(%arg7 : memref<128x128xf32, #tpu.memory_space<vmem>>) offsets(%dma_start3A_392 : memref<128xi32, #tpu.memory_space<vmem>>) semaphore(%arg12 : memref<!tpu.dma_semaphore, #tpu.memory_space<semaphore_mem>>)
      %dma_wait3A_396 = arith.constant 0 : i32
      %dma_wait3A_397 = arith.constant 0 : i32
      %dma_wait3A_398 = tpu.memref_slice %arg5[%dma_wait3A_396, %mul3A_2, %dma_wait3A_397] : memref<50x4096x128xf32, #tpu.memory_space<hbm>> -> memref<1x128x128xf32, #tpu.memory_space<hbm>>
      %dma_wait3A_399 = tpu.memref_squeeze %dma_wait3A_398 : memref<1x128x128xf32, #tpu.memory_space<hbm>> -> memref<128x128xf32, #tpu.memory_space<hbm>>
      %dma_wait3A_400 = arith.constant 0 : i32
      %dma_wait3A_401 = tpu.memref_slice %arg5[%dma_wait3A_396, %mul3A_2, %dma_wait3A_400] : memref<50x4096x128xf32, #tpu.memory_space<hbm>> -> memref<1x128x128xf32, #tpu.memory_space<hbm>>
      %dma_wait3A_402 = tpu.memref_squeeze %dma_wait3A_401 : memref<1x128x128xf32, #tpu.memory_space<hbm>> -> memref<128x128xf32, #tpu.memory_space<hbm>>
      tpu.wait_dma2 semaphore(%arg23 : memref<!tpu.dma_semaphore, #tpu.memory_space<semaphore_mem>>) src(%arg8 : memref<128x128xf32, #tpu.memory_space<vmem>>) dst(%dma_wait3A_402 : memref<128x128xf32, #tpu.memory_space<hbm>>)
      %add3A_403 = arith.constant 1 : i32
      %add3A_404 = arith.addi %mul3A_218, %add3A_403 : i32
      %add3A_405 = arith.constant 5 : i32
      %add3A_406 = arith.addi %add3A_404, %add3A_405 : i32
      %dma_start3A_407 = arith.constant 0 : i32
      %dma_start3A_408 = tpu.memref_slice %arg6[%add3A_406, %dma_start3A_407] : memref<50x128xi32, #tpu.memory_space<vmem>> -> memref<1x128xi32, #tpu.memory_space<vmem>>
      %dma_start3A_409 = tpu.memref_squeeze %dma_start3A_408 : memref<1x128xi32, #tpu.memory_space<vmem>> -> memref<128xi32, #tpu.memory_space<vmem>>
      %dma_start3A_410 = arith.constant 0 : i32
      %dma_start3A_411 = arith.constant 0 : i32
      %dma_start3A_412 = tpu.memref_slice %arg3[%dma_start3A_410, %dma_start3A_411] : memref<100000x128xf32, #tpu.memory_space<hbm>> -> memref<100000x128xf32, #tpu.memory_space<hbm>>
      tpu.enqueue_indirect_dma source(%dma_start3A_412 : memref<100000x128xf32, #tpu.memory_space<hbm>>) target(%arg8 : memref<128x128xf32, #tpu.memory_space<vmem>>) offsets(%dma_start3A_409 : memref<128xi32, #tpu.memory_space<vmem>>) semaphore(%arg13 : memref<!tpu.dma_semaphore, #tpu.memory_space<semaphore_mem>>)
      %dma_wait3A_413 = arith.constant 0 : i32
      %dma_wait3A_414 = arith.constant 0 : i32
      %dma_wait3A_415 = tpu.memref_slice %arg5[%dma_wait3A_413, %mul3A_2, %dma_wait3A_414] : memref<50x4096x128xf32, #tpu.memory_space<hbm>> -> memref<1x128x128xf32, #tpu.memory_space<hbm>>
      %dma_wait3A_416 = tpu.memref_squeeze %dma_wait3A_415 : memref<1x128x128xf32, #tpu.memory_space<hbm>> -> memref<128x128xf32, #tpu.memory_space<hbm>>
      %dma_wait3A_417 = arith.constant 0 : i32
      %dma_wait3A_418 = tpu.memref_slice %arg5[%dma_wait3A_413, %mul3A_2, %dma_wait3A_417] : memref<50x4096x128xf32, #tpu.memory_space<hbm>> -> memref<1x128x128xf32, #tpu.memory_space<hbm>>
      %dma_wait3A_419 = tpu.memref_squeeze %dma_wait3A_418 : memref<1x128x128xf32, #tpu.memory_space<hbm>> -> memref<128x128xf32, #tpu.memory_space<hbm>>
      tpu.wait_dma2 semaphore(%arg24 : memref<!tpu.dma_semaphore, #tpu.memory_space<semaphore_mem>>) src(%arg9 : memref<128x128xf32, #tpu.memory_space<vmem>>) dst(%dma_wait3A_419 : memref<128x128xf32, #tpu.memory_space<hbm>>)
      %add3A_420 = arith.constant 2 : i32
      %add3A_421 = arith.addi %mul3A_218, %add3A_420 : i32
      %add3A_422 = arith.constant 5 : i32
      %add3A_423 = arith.addi %add3A_421, %add3A_422 : i32
      %dma_start3A_424 = arith.constant 0 : i32
      %dma_start3A_425 = tpu.memref_slice %arg6[%add3A_423, %dma_start3A_424] : memref<50x128xi32, #tpu.memory_space<vmem>> -> memref<1x128xi32, #tpu.memory_space<vmem>>
      %dma_start3A_426 = tpu.memref_squeeze %dma_start3A_425 : memref<1x128xi32, #tpu.memory_space<vmem>> -> memref<128xi32, #tpu.memory_space<vmem>>
      %dma_start3A_427 = arith.constant 0 : i32
      %dma_start3A_428 = arith.constant 0 : i32
      %dma_start3A_429 = tpu.memref_slice %arg3[%dma_start3A_427, %dma_start3A_428] : memref<100000x128xf32, #tpu.memory_space<hbm>> -> memref<100000x128xf32, #tpu.memory_space<hbm>>
      tpu.enqueue_indirect_dma source(%dma_start3A_429 : memref<100000x128xf32, #tpu.memory_space<hbm>>) target(%arg9 : memref<128x128xf32, #tpu.memory_space<vmem>>) offsets(%dma_start3A_426 : memref<128xi32, #tpu.memory_space<vmem>>) semaphore(%arg14 : memref<!tpu.dma_semaphore, #tpu.memory_space<semaphore_mem>>)
      %dma_wait3A_430 = arith.constant 0 : i32
      %dma_wait3A_431 = arith.constant 0 : i32
      %dma_wait3A_432 = tpu.memref_slice %arg5[%dma_wait3A_430, %mul3A_2, %dma_wait3A_431] : memref<50x4096x128xf32, #tpu.memory_space<hbm>> -> memref<1x128x128xf32, #tpu.memory_space<hbm>>
      %dma_wait3A_433 = tpu.memref_squeeze %dma_wait3A_432 : memref<1x128x128xf32, #tpu.memory_space<hbm>> -> memref<128x128xf32, #tpu.memory_space<hbm>>
      %dma_wait3A_434 = arith.constant 0 : i32
      %dma_wait3A_435 = tpu.memref_slice %arg5[%dma_wait3A_430, %mul3A_2, %dma_wait3A_434] : memref<50x4096x128xf32, #tpu.memory_space<hbm>> -> memref<1x128x128xf32, #tpu.memory_space<hbm>>
      %dma_wait3A_436 = tpu.memref_squeeze %dma_wait3A_435 : memref<1x128x128xf32, #tpu.memory_space<hbm>> -> memref<128x128xf32, #tpu.memory_space<hbm>>
      tpu.wait_dma2 semaphore(%arg25 : memref<!tpu.dma_semaphore, #tpu.memory_space<semaphore_mem>>) src(%arg10 : memref<128x128xf32, #tpu.memory_space<vmem>>) dst(%dma_wait3A_436 : memref<128x128xf32, #tpu.memory_space<hbm>>)
      %add3A_437 = arith.constant 3 : i32
      %add3A_438 = arith.addi %mul3A_218, %add3A_437 : i32
      %add3A_439 = arith.constant 5 : i32
      %add3A_440 = arith.addi %add3A_438, %add3A_439 : i32
      %dma_start3A_441 = arith.constant 0 : i32
      %dma_start3A_442 = tpu.memref_slice %arg6[%add3A_440, %dma_start3A_441] : memref<50x128xi32, #tpu.memory_space<vmem>> -> memref<1x128xi32, #tpu.memory_space<vmem>>
      %dma_start3A_443 = tpu.memref_squeeze %dma_start3A_442 : memref<1x128xi32, #tpu.memory_space<vmem>> -> memref<128xi32, #tpu.memory_space<vmem>>
      %dma_start3A_444 = arith.constant 0 : i32
      %dma_start3A_445 = arith.constant 0 : i32
      %dma_start3A_446 = tpu.memref_slice %arg3[%dma_start3A_444, %dma_start3A_445] : memref<100000x128xf32, #tpu.memory_space<hbm>> -> memref<100000x128xf32, #tpu.memory_space<hbm>>
      tpu.enqueue_indirect_dma source(%dma_start3A_446 : memref<100000x128xf32, #tpu.memory_space<hbm>>) target(%arg10 : memref<128x128xf32, #tpu.memory_space<vmem>>) offsets(%dma_start3A_443 : memref<128xi32, #tpu.memory_space<vmem>>) semaphore(%arg15 : memref<!tpu.dma_semaphore, #tpu.memory_space<semaphore_mem>>)
      %dma_wait3A_447 = arith.constant 0 : i32
      %dma_wait3A_448 = arith.constant 0 : i32
      %dma_wait3A_449 = tpu.memref_slice %arg5[%dma_wait3A_447, %mul3A_2, %dma_wait3A_448] : memref<50x4096x128xf32, #tpu.memory_space<hbm>> -> memref<1x128x128xf32, #tpu.memory_space<hbm>>
      %dma_wait3A_450 = tpu.memref_squeeze %dma_wait3A_449 : memref<1x128x128xf32, #tpu.memory_space<hbm>> -> memref<128x128xf32, #tpu.memory_space<hbm>>
      %dma_wait3A_451 = arith.constant 0 : i32
      %dma_wait3A_452 = tpu.memref_slice %arg5[%dma_wait3A_447, %mul3A_2, %dma_wait3A_451] : memref<50x4096x128xf32, #tpu.memory_space<hbm>> -> memref<1x128x128xf32, #tpu.memory_space<hbm>>
      %dma_wait3A_453 = tpu.memref_squeeze %dma_wait3A_452 : memref<1x128x128xf32, #tpu.memory_space<hbm>> -> memref<128x128xf32, #tpu.memory_space<hbm>>
      tpu.wait_dma2 semaphore(%arg26 : memref<!tpu.dma_semaphore, #tpu.memory_space<semaphore_mem>>) src(%arg11 : memref<128x128xf32, #tpu.memory_space<vmem>>) dst(%dma_wait3A_453 : memref<128x128xf32, #tpu.memory_space<hbm>>)
      %add3A_454 = arith.constant 4 : i32
      %add3A_455 = arith.addi %mul3A_218, %add3A_454 : i32
      %add3A_456 = arith.constant 5 : i32
      %add3A_457 = arith.addi %add3A_455, %add3A_456 : i32
      %dma_start3A_458 = arith.constant 0 : i32
      %dma_start3A_459 = tpu.memref_slice %arg6[%add3A_457, %dma_start3A_458] : memref<50x128xi32, #tpu.memory_space<vmem>> -> memref<1x128xi32, #tpu.memory_space<vmem>>
      %dma_start3A_460 = tpu.memref_squeeze %dma_start3A_459 : memref<1x128xi32, #tpu.memory_space<vmem>> -> memref<128xi32, #tpu.memory_space<vmem>>
      %dma_start3A_461 = arith.constant 0 : i32
      %dma_start3A_462 = arith.constant 0 : i32
      %dma_start3A_463 = tpu.memref_slice %arg3[%dma_start3A_461, %dma_start3A_462] : memref<100000x128xf32, #tpu.memory_space<hbm>> -> memref<100000x128xf32, #tpu.memory_space<hbm>>
      tpu.enqueue_indirect_dma source(%dma_start3A_463 : memref<100000x128xf32, #tpu.memory_space<hbm>>) target(%arg11 : memref<128x128xf32, #tpu.memory_space<vmem>>) offsets(%dma_start3A_460 : memref<128xi32, #tpu.memory_space<vmem>>) semaphore(%arg16 : memref<!tpu.dma_semaphore, #tpu.memory_space<semaphore_mem>>)
    }
    %scan3A_41 = arith.constant 9 : i32
    %dma_wait3A = arith.constant 45 : i32
    %dma_wait3A_42 = arith.constant 0 : i32
    %dma_wait3A_43 = tpu.memref_slice %arg6[%dma_wait3A, %dma_wait3A_42] : memref<50x128xi32, #tpu.memory_space<vmem>> -> memref<1x128xi32, #tpu.memory_space<vmem>>
    %dma_wait3A_44 = tpu.memref_squeeze %dma_wait3A_43 : memref<1x128xi32, #tpu.memory_space<vmem>> -> memref<128xi32, #tpu.memory_space<vmem>>
    %dma_wait3A_45 = arith.constant 0 : i32
    %dma_wait3A_46 = arith.constant 0 : i32
    %dma_wait3A_47 = tpu.memref_slice %arg3[%dma_wait3A_45, %dma_wait3A_46] : memref<100000x128xf32, #tpu.memory_space<hbm>> -> memref<100000x128xf32, #tpu.memory_space<hbm>>
    tpu.wait_indirect_dma semaphore(%arg12 : memref<!tpu.dma_semaphore, #tpu.memory_space<semaphore_mem>>) src(%dma_wait3A_47 : memref<100000x128xf32, #tpu.memory_space<hbm>>) dst(%arg7 : memref<128x128xf32, #tpu.memory_space<vmem>>)
    %dma_start3A_48 = arith.constant 45 : i32
    %dma_start3A_49 = arith.constant 0 : i32
    %dma_start3A_50 = tpu.memref_slice %arg6[%dma_start3A_48, %dma_start3A_49] : memref<50x128xi32, #tpu.memory_space<vmem>> -> memref<1x128xi32, #tpu.memory_space<vmem>>
    %dma_start3A_51 = tpu.memref_squeeze %dma_start3A_50 : memref<1x128xi32, #tpu.memory_space<vmem>> -> memref<128xi32, #tpu.memory_space<vmem>>
    %dma_start3A_52 = arith.constant 0 : i32
    %dma_start3A_53 = arith.constant 0 : i32
    %dma_start3A_54 = tpu.memref_slice %arg4[%dma_start3A_52, %dma_start3A_53] : memref<100000x128xf32, #tpu.memory_space<hbm>> -> memref<100000x128xf32, #tpu.memory_space<hbm>>
    tpu.enqueue_indirect_dma source(%dma_start3A_54 : memref<100000x128xf32, #tpu.memory_space<hbm>>) target(%arg7 : memref<128x128xf32, #tpu.memory_space<vmem>>) offsets(%dma_start3A_51 : memref<128xi32, #tpu.memory_space<vmem>>) semaphore(%arg17 : memref<!tpu.dma_semaphore, #tpu.memory_space<semaphore_mem>>) {add = true}
    %dma_wait3A_55 = arith.constant 46 : i32
    %dma_wait3A_56 = arith.constant 0 : i32
    %dma_wait3A_57 = tpu.memref_slice %arg6[%dma_wait3A_55, %dma_wait3A_56] : memref<50x128xi32, #tpu.memory_space<vmem>> -> memref<1x128xi32, #tpu.memory_space<vmem>>
    %dma_wait3A_58 = tpu.memref_squeeze %dma_wait3A_57 : memref<1x128xi32, #tpu.memory_space<vmem>> -> memref<128xi32, #tpu.memory_space<vmem>>
    %dma_wait3A_59 = arith.constant 0 : i32
    %dma_wait3A_60 = arith.constant 0 : i32
    %dma_wait3A_61 = tpu.memref_slice %arg3[%dma_wait3A_59, %dma_wait3A_60] : memref<100000x128xf32, #tpu.memory_space<hbm>> -> memref<100000x128xf32, #tpu.memory_space<hbm>>
    tpu.wait_indirect_dma semaphore(%arg13 : memref<!tpu.dma_semaphore, #tpu.memory_space<semaphore_mem>>) src(%dma_wait3A_61 : memref<100000x128xf32, #tpu.memory_space<hbm>>) dst(%arg8 : memref<128x128xf32, #tpu.memory_space<vmem>>)
    %dma_start3A_62 = arith.constant 46 : i32
    %dma_start3A_63 = arith.constant 0 : i32
    %dma_start3A_64 = tpu.memref_slice %arg6[%dma_start3A_62, %dma_start3A_63] : memref<50x128xi32, #tpu.memory_space<vmem>> -> memref<1x128xi32, #tpu.memory_space<vmem>>
    %dma_start3A_65 = tpu.memref_squeeze %dma_start3A_64 : memref<1x128xi32, #tpu.memory_space<vmem>> -> memref<128xi32, #tpu.memory_space<vmem>>
    %dma_start3A_66 = arith.constant 0 : i32
    %dma_start3A_67 = arith.constant 0 : i32
    %dma_start3A_68 = tpu.memref_slice %arg4[%dma_start3A_66, %dma_start3A_67] : memref<100000x128xf32, #tpu.memory_space<hbm>> -> memref<100000x128xf32, #tpu.memory_space<hbm>>
    tpu.enqueue_indirect_dma source(%dma_start3A_68 : memref<100000x128xf32, #tpu.memory_space<hbm>>) target(%arg8 : memref<128x128xf32, #tpu.memory_space<vmem>>) offsets(%dma_start3A_65 : memref<128xi32, #tpu.memory_space<vmem>>) semaphore(%arg18 : memref<!tpu.dma_semaphore, #tpu.memory_space<semaphore_mem>>) {add = true}
    %dma_wait3A_69 = arith.constant 47 : i32
    %dma_wait3A_70 = arith.constant 0 : i32
    %dma_wait3A_71 = tpu.memref_slice %arg6[%dma_wait3A_69, %dma_wait3A_70] : memref<50x128xi32, #tpu.memory_space<vmem>> -> memref<1x128xi32, #tpu.memory_space<vmem>>
    %dma_wait3A_72 = tpu.memref_squeeze %dma_wait3A_71 : memref<1x128xi32, #tpu.memory_space<vmem>> -> memref<128xi32, #tpu.memory_space<vmem>>
    %dma_wait3A_73 = arith.constant 0 : i32
    %dma_wait3A_74 = arith.constant 0 : i32
    %dma_wait3A_75 = tpu.memref_slice %arg3[%dma_wait3A_73, %dma_wait3A_74] : memref<100000x128xf32, #tpu.memory_space<hbm>> -> memref<100000x128xf32, #tpu.memory_space<hbm>>
    tpu.wait_indirect_dma semaphore(%arg14 : memref<!tpu.dma_semaphore, #tpu.memory_space<semaphore_mem>>) src(%dma_wait3A_75 : memref<100000x128xf32, #tpu.memory_space<hbm>>) dst(%arg9 : memref<128x128xf32, #tpu.memory_space<vmem>>)
    %dma_start3A_76 = arith.constant 47 : i32
    %dma_start3A_77 = arith.constant 0 : i32
    %dma_start3A_78 = tpu.memref_slice %arg6[%dma_start3A_76, %dma_start3A_77] : memref<50x128xi32, #tpu.memory_space<vmem>> -> memref<1x128xi32, #tpu.memory_space<vmem>>
    %dma_start3A_79 = tpu.memref_squeeze %dma_start3A_78 : memref<1x128xi32, #tpu.memory_space<vmem>> -> memref<128xi32, #tpu.memory_space<vmem>>
    %dma_start3A_80 = arith.constant 0 : i32
    %dma_start3A_81 = arith.constant 0 : i32
    %dma_start3A_82 = tpu.memref_slice %arg4[%dma_start3A_80, %dma_start3A_81] : memref<100000x128xf32, #tpu.memory_space<hbm>> -> memref<100000x128xf32, #tpu.memory_space<hbm>>
    tpu.enqueue_indirect_dma source(%dma_start3A_82 : memref<100000x128xf32, #tpu.memory_space<hbm>>) target(%arg9 : memref<128x128xf32, #tpu.memory_space<vmem>>) offsets(%dma_start3A_79 : memref<128xi32, #tpu.memory_space<vmem>>) semaphore(%arg19 : memref<!tpu.dma_semaphore, #tpu.memory_space<semaphore_mem>>) {add = true}
    %dma_wait3A_83 = arith.constant 48 : i32
    %dma_wait3A_84 = arith.constant 0 : i32
    %dma_wait3A_85 = tpu.memref_slice %arg6[%dma_wait3A_83, %dma_wait3A_84] : memref<50x128xi32, #tpu.memory_space<vmem>> -> memref<1x128xi32, #tpu.memory_space<vmem>>
    %dma_wait3A_86 = tpu.memref_squeeze %dma_wait3A_85 : memref<1x128xi32, #tpu.memory_space<vmem>> -> memref<128xi32, #tpu.memory_space<vmem>>
    %dma_wait3A_87 = arith.constant 0 : i32
    %dma_wait3A_88 = arith.constant 0 : i32
    %dma_wait3A_89 = tpu.memref_slice %arg3[%dma_wait3A_87, %dma_wait3A_88] : memref<100000x128xf32, #tpu.memory_space<hbm>> -> memref<100000x128xf32, #tpu.memory_space<hbm>>
    tpu.wait_indirect_dma semaphore(%arg15 : memref<!tpu.dma_semaphore, #tpu.memory_space<semaphore_mem>>) src(%dma_wait3A_89 : memref<100000x128xf32, #tpu.memory_space<hbm>>) dst(%arg10 : memref<128x128xf32, #tpu.memory_space<vmem>>)
    %dma_start3A_90 = arith.constant 48 : i32
    %dma_start3A_91 = arith.constant 0 : i32
    %dma_start3A_92 = tpu.memref_slice %arg6[%dma_start3A_90, %dma_start3A_91] : memref<50x128xi32, #tpu.memory_space<vmem>> -> memref<1x128xi32, #tpu.memory_space<vmem>>
    %dma_start3A_93 = tpu.memref_squeeze %dma_start3A_92 : memref<1x128xi32, #tpu.memory_space<vmem>> -> memref<128xi32, #tpu.memory_space<vmem>>
    %dma_start3A_94 = arith.constant 0 : i32
    %dma_start3A_95 = arith.constant 0 : i32
    %dma_start3A_96 = tpu.memref_slice %arg4[%dma_start3A_94, %dma_start3A_95] : memref<100000x128xf32, #tpu.memory_space<hbm>> -> memref<100000x128xf32, #tpu.memory_space<hbm>>
    tpu.enqueue_indirect_dma source(%dma_start3A_96 : memref<100000x128xf32, #tpu.memory_space<hbm>>) target(%arg10 : memref<128x128xf32, #tpu.memory_space<vmem>>) offsets(%dma_start3A_93 : memref<128xi32, #tpu.memory_space<vmem>>) semaphore(%arg20 : memref<!tpu.dma_semaphore, #tpu.memory_space<semaphore_mem>>) {add = true}
    %dma_wait3A_97 = arith.constant 49 : i32
    %dma_wait3A_98 = arith.constant 0 : i32
    %dma_wait3A_99 = tpu.memref_slice %arg6[%dma_wait3A_97, %dma_wait3A_98] : memref<50x128xi32, #tpu.memory_space<vmem>> -> memref<1x128xi32, #tpu.memory_space<vmem>>
    %dma_wait3A_100 = tpu.memref_squeeze %dma_wait3A_99 : memref<1x128xi32, #tpu.memory_space<vmem>> -> memref<128xi32, #tpu.memory_space<vmem>>
    %dma_wait3A_101 = arith.constant 0 : i32
    %dma_wait3A_102 = arith.constant 0 : i32
    %dma_wait3A_103 = tpu.memref_slice %arg3[%dma_wait3A_101, %dma_wait3A_102] : memref<100000x128xf32, #tpu.memory_space<hbm>> -> memref<100000x128xf32, #tpu.memory_space<hbm>>
    tpu.wait_indirect_dma semaphore(%arg16 : memref<!tpu.dma_semaphore, #tpu.memory_space<semaphore_mem>>) src(%dma_wait3A_103 : memref<100000x128xf32, #tpu.memory_space<hbm>>) dst(%arg11 : memref<128x128xf32, #tpu.memory_space<vmem>>)
    %dma_start3A_104 = arith.constant 49 : i32
    %dma_start3A_105 = arith.constant 0 : i32
    %dma_start3A_106 = tpu.memref_slice %arg6[%dma_start3A_104, %dma_start3A_105] : memref<50x128xi32, #tpu.memory_space<vmem>> -> memref<1x128xi32, #tpu.memory_space<vmem>>
    %dma_start3A_107 = tpu.memref_squeeze %dma_start3A_106 : memref<1x128xi32, #tpu.memory_space<vmem>> -> memref<128xi32, #tpu.memory_space<vmem>>
    %dma_start3A_108 = arith.constant 0 : i32
    %dma_start3A_109 = arith.constant 0 : i32
    %dma_start3A_110 = tpu.memref_slice %arg4[%dma_start3A_108, %dma_start3A_109] : memref<100000x128xf32, #tpu.memory_space<hbm>> -> memref<100000x128xf32, #tpu.memory_space<hbm>>
    tpu.enqueue_indirect_dma source(%dma_start3A_110 : memref<100000x128xf32, #tpu.memory_space<hbm>>) target(%arg11 : memref<128x128xf32, #tpu.memory_space<vmem>>) offsets(%dma_start3A_107 : memref<128xi32, #tpu.memory_space<vmem>>) semaphore(%arg21 : memref<!tpu.dma_semaphore, #tpu.memory_space<semaphore_mem>>) {add = true}
    %dma_wait3A_111 = arith.constant 45 : i32
    %dma_wait3A_112 = arith.constant 0 : i32
    %dma_wait3A_113 = tpu.memref_slice %arg6[%dma_wait3A_111, %dma_wait3A_112] : memref<50x128xi32, #tpu.memory_space<vmem>> -> memref<1x128xi32, #tpu.memory_space<vmem>>
    %dma_wait3A_114 = tpu.memref_squeeze %dma_wait3A_113 : memref<1x128xi32, #tpu.memory_space<vmem>> -> memref<128xi32, #tpu.memory_space<vmem>>
    %dma_wait3A_115 = arith.constant 0 : i32
    %dma_wait3A_116 = arith.constant 0 : i32
    %dma_wait3A_117 = tpu.memref_slice %arg4[%dma_wait3A_115, %dma_wait3A_116] : memref<100000x128xf32, #tpu.memory_space<hbm>> -> memref<100000x128xf32, #tpu.memory_space<hbm>>
    tpu.wait_indirect_dma semaphore(%arg17 : memref<!tpu.dma_semaphore, #tpu.memory_space<semaphore_mem>>) src(%dma_wait3A_117 : memref<100000x128xf32, #tpu.memory_space<hbm>>) dst(%arg7 : memref<128x128xf32, #tpu.memory_space<vmem>>)
    %dma_start3A_118 = arith.constant 45 : i32
    %dma_start3A_119 = arith.constant 0 : i32
    %dma_start3A_120 = tpu.memref_slice %arg5[%dma_start3A_118, %mul3A_2, %dma_start3A_119] : memref<50x4096x128xf32, #tpu.memory_space<hbm>> -> memref<1x128x128xf32, #tpu.memory_space<hbm>>
    %dma_start3A_121 = tpu.memref_squeeze %dma_start3A_120 : memref<1x128x128xf32, #tpu.memory_space<hbm>> -> memref<128x128xf32, #tpu.memory_space<hbm>>
    %dma_start3A_122 = arith.constant 0 : i32
    %dma_start3A_123 = tpu.memref_slice %arg5[%dma_start3A_118, %mul3A_2, %dma_start3A_122] : memref<50x4096x128xf32, #tpu.memory_space<hbm>> -> memref<1x128x128xf32, #tpu.memory_space<hbm>>
    %dma_start3A_124 = tpu.memref_squeeze %dma_start3A_123 : memref<1x128x128xf32, #tpu.memory_space<hbm>> -> memref<128x128xf32, #tpu.memory_space<hbm>>
    tpu.enqueue_dma source(%arg7 : memref<128x128xf32, #tpu.memory_space<vmem>>) target(%dma_start3A_124 : memref<128x128xf32, #tpu.memory_space<hbm>>) target_semaphore(%arg22 : memref<!tpu.dma_semaphore, #tpu.memory_space<semaphore_mem>>)
    %dma_wait3A_125 = arith.constant 46 : i32
    %dma_wait3A_126 = arith.constant 0 : i32
    %dma_wait3A_127 = tpu.memref_slice %arg6[%dma_wait3A_125, %dma_wait3A_126] : memref<50x128xi32, #tpu.memory_space<vmem>> -> memref<1x128xi32, #tpu.memory_space<vmem>>
    %dma_wait3A_128 = tpu.memref_squeeze %dma_wait3A_127 : memref<1x128xi32, #tpu.memory_space<vmem>> -> memref<128xi32, #tpu.memory_space<vmem>>
    %dma_wait3A_129 = arith.constant 0 : i32
    %dma_wait3A_130 = arith.constant 0 : i32
    %dma_wait3A_131 = tpu.memref_slice %arg4[%dma_wait3A_129, %dma_wait3A_130] : memref<100000x128xf32, #tpu.memory_space<hbm>> -> memref<100000x128xf32, #tpu.memory_space<hbm>>
    tpu.wait_indirect_dma semaphore(%arg18 : memref<!tpu.dma_semaphore, #tpu.memory_space<semaphore_mem>>) src(%dma_wait3A_131 : memref<100000x128xf32, #tpu.memory_space<hbm>>) dst(%arg8 : memref<128x128xf32, #tpu.memory_space<vmem>>)
    %dma_start3A_132 = arith.constant 46 : i32
    %dma_start3A_133 = arith.constant 0 : i32
    %dma_start3A_134 = tpu.memref_slice %arg5[%dma_start3A_132, %mul3A_2, %dma_start3A_133] : memref<50x4096x128xf32, #tpu.memory_space<hbm>> -> memref<1x128x128xf32, #tpu.memory_space<hbm>>
    %dma_start3A_135 = tpu.memref_squeeze %dma_start3A_134 : memref<1x128x128xf32, #tpu.memory_space<hbm>> -> memref<128x128xf32, #tpu.memory_space<hbm>>
    %dma_start3A_136 = arith.constant 0 : i32
    %dma_start3A_137 = tpu.memref_slice %arg5[%dma_start3A_132, %mul3A_2, %dma_start3A_136] : memref<50x4096x128xf32, #tpu.memory_space<hbm>> -> memref<1x128x128xf32, #tpu.memory_space<hbm>>
    %dma_start3A_138 = tpu.memref_squeeze %dma_start3A_137 : memref<1x128x128xf32, #tpu.memory_space<hbm>> -> memref<128x128xf32, #tpu.memory_space<hbm>>
    tpu.enqueue_dma source(%arg8 : memref<128x128xf32, #tpu.memory_space<vmem>>) target(%dma_start3A_138 : memref<128x128xf32, #tpu.memory_space<hbm>>) target_semaphore(%arg23 : memref<!tpu.dma_semaphore, #tpu.memory_space<semaphore_mem>>)
    %dma_wait3A_139 = arith.constant 47 : i32
    %dma_wait3A_140 = arith.constant 0 : i32
    %dma_wait3A_141 = tpu.memref_slice %arg6[%dma_wait3A_139, %dma_wait3A_140] : memref<50x128xi32, #tpu.memory_space<vmem>> -> memref<1x128xi32, #tpu.memory_space<vmem>>
    %dma_wait3A_142 = tpu.memref_squeeze %dma_wait3A_141 : memref<1x128xi32, #tpu.memory_space<vmem>> -> memref<128xi32, #tpu.memory_space<vmem>>
    %dma_wait3A_143 = arith.constant 0 : i32
    %dma_wait3A_144 = arith.constant 0 : i32
    %dma_wait3A_145 = tpu.memref_slice %arg4[%dma_wait3A_143, %dma_wait3A_144] : memref<100000x128xf32, #tpu.memory_space<hbm>> -> memref<100000x128xf32, #tpu.memory_space<hbm>>
    tpu.wait_indirect_dma semaphore(%arg19 : memref<!tpu.dma_semaphore, #tpu.memory_space<semaphore_mem>>) src(%dma_wait3A_145 : memref<100000x128xf32, #tpu.memory_space<hbm>>) dst(%arg9 : memref<128x128xf32, #tpu.memory_space<vmem>>)
    %dma_start3A_146 = arith.constant 47 : i32
    %dma_start3A_147 = arith.constant 0 : i32
    %dma_start3A_148 = tpu.memref_slice %arg5[%dma_start3A_146, %mul3A_2, %dma_start3A_147] : memref<50x4096x128xf32, #tpu.memory_space<hbm>> -> memref<1x128x128xf32, #tpu.memory_space<hbm>>
    %dma_start3A_149 = tpu.memref_squeeze %dma_start3A_148 : memref<1x128x128xf32, #tpu.memory_space<hbm>> -> memref<128x128xf32, #tpu.memory_space<hbm>>
    %dma_start3A_150 = arith.constant 0 : i32
    %dma_start3A_151 = tpu.memref_slice %arg5[%dma_start3A_146, %mul3A_2, %dma_start3A_150] : memref<50x4096x128xf32, #tpu.memory_space<hbm>> -> memref<1x128x128xf32, #tpu.memory_space<hbm>>
    %dma_start3A_152 = tpu.memref_squeeze %dma_start3A_151 : memref<1x128x128xf32, #tpu.memory_space<hbm>> -> memref<128x128xf32, #tpu.memory_space<hbm>>
    tpu.enqueue_dma source(%arg9 : memref<128x128xf32, #tpu.memory_space<vmem>>) target(%dma_start3A_152 : memref<128x128xf32, #tpu.memory_space<hbm>>) target_semaphore(%arg24 : memref<!tpu.dma_semaphore, #tpu.memory_space<semaphore_mem>>)
    %dma_wait3A_153 = arith.constant 48 : i32
    %dma_wait3A_154 = arith.constant 0 : i32
    %dma_wait3A_155 = tpu.memref_slice %arg6[%dma_wait3A_153, %dma_wait3A_154] : memref<50x128xi32, #tpu.memory_space<vmem>> -> memref<1x128xi32, #tpu.memory_space<vmem>>
    %dma_wait3A_156 = tpu.memref_squeeze %dma_wait3A_155 : memref<1x128xi32, #tpu.memory_space<vmem>> -> memref<128xi32, #tpu.memory_space<vmem>>
    %dma_wait3A_157 = arith.constant 0 : i32
    %dma_wait3A_158 = arith.constant 0 : i32
    %dma_wait3A_159 = tpu.memref_slice %arg4[%dma_wait3A_157, %dma_wait3A_158] : memref<100000x128xf32, #tpu.memory_space<hbm>> -> memref<100000x128xf32, #tpu.memory_space<hbm>>
    tpu.wait_indirect_dma semaphore(%arg20 : memref<!tpu.dma_semaphore, #tpu.memory_space<semaphore_mem>>) src(%dma_wait3A_159 : memref<100000x128xf32, #tpu.memory_space<hbm>>) dst(%arg10 : memref<128x128xf32, #tpu.memory_space<vmem>>)
    %dma_start3A_160 = arith.constant 48 : i32
    %dma_start3A_161 = arith.constant 0 : i32
    %dma_start3A_162 = tpu.memref_slice %arg5[%dma_start3A_160, %mul3A_2, %dma_start3A_161] : memref<50x4096x128xf32, #tpu.memory_space<hbm>> -> memref<1x128x128xf32, #tpu.memory_space<hbm>>
    %dma_start3A_163 = tpu.memref_squeeze %dma_start3A_162 : memref<1x128x128xf32, #tpu.memory_space<hbm>> -> memref<128x128xf32, #tpu.memory_space<hbm>>
    %dma_start3A_164 = arith.constant 0 : i32
    %dma_start3A_165 = tpu.memref_slice %arg5[%dma_start3A_160, %mul3A_2, %dma_start3A_164] : memref<50x4096x128xf32, #tpu.memory_space<hbm>> -> memref<1x128x128xf32, #tpu.memory_space<hbm>>
    %dma_start3A_166 = tpu.memref_squeeze %dma_start3A_165 : memref<1x128x128xf32, #tpu.memory_space<hbm>> -> memref<128x128xf32, #tpu.memory_space<hbm>>
    tpu.enqueue_dma source(%arg10 : memref<128x128xf32, #tpu.memory_space<vmem>>) target(%dma_start3A_166 : memref<128x128xf32, #tpu.memory_space<hbm>>) target_semaphore(%arg25 : memref<!tpu.dma_semaphore, #tpu.memory_space<semaphore_mem>>)
    %dma_wait3A_167 = arith.constant 49 : i32
    %dma_wait3A_168 = arith.constant 0 : i32
    %dma_wait3A_169 = tpu.memref_slice %arg6[%dma_wait3A_167, %dma_wait3A_168] : memref<50x128xi32, #tpu.memory_space<vmem>> -> memref<1x128xi32, #tpu.memory_space<vmem>>
    %dma_wait3A_170 = tpu.memref_squeeze %dma_wait3A_169 : memref<1x128xi32, #tpu.memory_space<vmem>> -> memref<128xi32, #tpu.memory_space<vmem>>
    %dma_wait3A_171 = arith.constant 0 : i32
    %dma_wait3A_172 = arith.constant 0 : i32
    %dma_wait3A_173 = tpu.memref_slice %arg4[%dma_wait3A_171, %dma_wait3A_172] : memref<100000x128xf32, #tpu.memory_space<hbm>> -> memref<100000x128xf32, #tpu.memory_space<hbm>>
    tpu.wait_indirect_dma semaphore(%arg21 : memref<!tpu.dma_semaphore, #tpu.memory_space<semaphore_mem>>) src(%dma_wait3A_173 : memref<100000x128xf32, #tpu.memory_space<hbm>>) dst(%arg11 : memref<128x128xf32, #tpu.memory_space<vmem>>)
    %dma_start3A_174 = arith.constant 49 : i32
    %dma_start3A_175 = arith.constant 0 : i32
    %dma_start3A_176 = tpu.memref_slice %arg5[%dma_start3A_174, %mul3A_2, %dma_start3A_175] : memref<50x4096x128xf32, #tpu.memory_space<hbm>> -> memref<1x128x128xf32, #tpu.memory_space<hbm>>
    %dma_start3A_177 = tpu.memref_squeeze %dma_start3A_176 : memref<1x128x128xf32, #tpu.memory_space<hbm>> -> memref<128x128xf32, #tpu.memory_space<hbm>>
    %dma_start3A_178 = arith.constant 0 : i32
    %dma_start3A_179 = tpu.memref_slice %arg5[%dma_start3A_174, %mul3A_2, %dma_start3A_178] : memref<50x4096x128xf32, #tpu.memory_space<hbm>> -> memref<1x128x128xf32, #tpu.memory_space<hbm>>
    %dma_start3A_180 = tpu.memref_squeeze %dma_start3A_179 : memref<1x128x128xf32, #tpu.memory_space<hbm>> -> memref<128x128xf32, #tpu.memory_space<hbm>>
    tpu.enqueue_dma source(%arg11 : memref<128x128xf32, #tpu.memory_space<vmem>>) target(%dma_start3A_180 : memref<128x128xf32, #tpu.memory_space<hbm>>) target_semaphore(%arg26 : memref<!tpu.dma_semaphore, #tpu.memory_space<semaphore_mem>>)
    %dma_wait3A_181 = arith.constant 0 : i32
    %dma_wait3A_182 = arith.constant 0 : i32
    %dma_wait3A_183 = tpu.memref_slice %arg5[%dma_wait3A_181, %mul3A_2, %dma_wait3A_182] : memref<50x4096x128xf32, #tpu.memory_space<hbm>> -> memref<1x128x128xf32, #tpu.memory_space<hbm>>
    %dma_wait3A_184 = tpu.memref_squeeze %dma_wait3A_183 : memref<1x128x128xf32, #tpu.memory_space<hbm>> -> memref<128x128xf32, #tpu.memory_space<hbm>>
    %dma_wait3A_185 = arith.constant 0 : i32
    %dma_wait3A_186 = tpu.memref_slice %arg5[%dma_wait3A_181, %mul3A_2, %dma_wait3A_185] : memref<50x4096x128xf32, #tpu.memory_space<hbm>> -> memref<1x128x128xf32, #tpu.memory_space<hbm>>
    %dma_wait3A_187 = tpu.memref_squeeze %dma_wait3A_186 : memref<1x128x128xf32, #tpu.memory_space<hbm>> -> memref<128x128xf32, #tpu.memory_space<hbm>>
    tpu.wait_dma2 semaphore(%arg22 : memref<!tpu.dma_semaphore, #tpu.memory_space<semaphore_mem>>) src(%arg7 : memref<128x128xf32, #tpu.memory_space<vmem>>) dst(%dma_wait3A_187 : memref<128x128xf32, #tpu.memory_space<hbm>>)
    %dma_wait3A_188 = arith.constant 0 : i32
    %dma_wait3A_189 = arith.constant 0 : i32
    %dma_wait3A_190 = tpu.memref_slice %arg5[%dma_wait3A_188, %mul3A_2, %dma_wait3A_189] : memref<50x4096x128xf32, #tpu.memory_space<hbm>> -> memref<1x128x128xf32, #tpu.memory_space<hbm>>
    %dma_wait3A_191 = tpu.memref_squeeze %dma_wait3A_190 : memref<1x128x128xf32, #tpu.memory_space<hbm>> -> memref<128x128xf32, #tpu.memory_space<hbm>>
    %dma_wait3A_192 = arith.constant 0 : i32
    %dma_wait3A_193 = tpu.memref_slice %arg5[%dma_wait3A_188, %mul3A_2, %dma_wait3A_192] : memref<50x4096x128xf32, #tpu.memory_space<hbm>> -> memref<1x128x128xf32, #tpu.memory_space<hbm>>
    %dma_wait3A_194 = tpu.memref_squeeze %dma_wait3A_193 : memref<1x128x128xf32, #tpu.memory_space<hbm>> -> memref<128x128xf32, #tpu.memory_space<hbm>>
    tpu.wait_dma2 semaphore(%arg23 : memref<!tpu.dma_semaphore, #tpu.memory_space<semaphore_mem>>) src(%arg8 : memref<128x128xf32, #tpu.memory_space<vmem>>) dst(%dma_wait3A_194 : memref<128x128xf32, #tpu.memory_space<hbm>>)
    %dma_wait3A_195 = arith.constant 0 : i32
    %dma_wait3A_196 = arith.constant 0 : i32
    %dma_wait3A_197 = tpu.memref_slice %arg5[%dma_wait3A_195, %mul3A_2, %dma_wait3A_196] : memref<50x4096x128xf32, #tpu.memory_space<hbm>> -> memref<1x128x128xf32, #tpu.memory_space<hbm>>
    %dma_wait3A_198 = tpu.memref_squeeze %dma_wait3A_197 : memref<1x128x128xf32, #tpu.memory_space<hbm>> -> memref<128x128xf32, #tpu.memory_space<hbm>>
    %dma_wait3A_199 = arith.constant 0 : i32
    %dma_wait3A_200 = tpu.memref_slice %arg5[%dma_wait3A_195, %mul3A_2, %dma_wait3A_199] : memref<50x4096x128xf32, #tpu.memory_space<hbm>> -> memref<1x128x128xf32, #tpu.memory_space<hbm>>
    %dma_wait3A_201 = tpu.memref_squeeze %dma_wait3A_200 : memref<1x128x128xf32, #tpu.memory_space<hbm>> -> memref<128x128xf32, #tpu.memory_space<hbm>>
    tpu.wait_dma2 semaphore(%arg24 : memref<!tpu.dma_semaphore, #tpu.memory_space<semaphore_mem>>) src(%arg9 : memref<128x128xf32, #tpu.memory_space<vmem>>) dst(%dma_wait3A_201 : memref<128x128xf32, #tpu.memory_space<hbm>>)
    %dma_wait3A_202 = arith.constant 0 : i32
    %dma_wait3A_203 = arith.constant 0 : i32
    %dma_wait3A_204 = tpu.memref_slice %arg5[%dma_wait3A_202, %mul3A_2, %dma_wait3A_203] : memref<50x4096x128xf32, #tpu.memory_space<hbm>> -> memref<1x128x128xf32, #tpu.memory_space<hbm>>
    %dma_wait3A_205 = tpu.memref_squeeze %dma_wait3A_204 : memref<1x128x128xf32, #tpu.memory_space<hbm>> -> memref<128x128xf32, #tpu.memory_space<hbm>>
    %dma_wait3A_206 = arith.constant 0 : i32
    %dma_wait3A_207 = tpu.memref_slice %arg5[%dma_wait3A_202, %mul3A_2, %dma_wait3A_206] : memref<50x4096x128xf32, #tpu.memory_space<hbm>> -> memref<1x128x128xf32, #tpu.memory_space<hbm>>
    %dma_wait3A_208 = tpu.memref_squeeze %dma_wait3A_207 : memref<1x128x128xf32, #tpu.memory_space<hbm>> -> memref<128x128xf32, #tpu.memory_space<hbm>>
    tpu.wait_dma2 semaphore(%arg25 : memref<!tpu.dma_semaphore, #tpu.memory_space<semaphore_mem>>) src(%arg10 : memref<128x128xf32, #tpu.memory_space<vmem>>) dst(%dma_wait3A_208 : memref<128x128xf32, #tpu.memory_space<hbm>>)
    %dma_wait3A_209 = arith.constant 0 : i32
    %dma_wait3A_210 = arith.constant 0 : i32
    %dma_wait3A_211 = tpu.memref_slice %arg5[%dma_wait3A_209, %mul3A_2, %dma_wait3A_210] : memref<50x4096x128xf32, #tpu.memory_space<hbm>> -> memref<1x128x128xf32, #tpu.memory_space<hbm>>
    %dma_wait3A_212 = tpu.memref_squeeze %dma_wait3A_211 : memref<1x128x128xf32, #tpu.memory_space<hbm>> -> memref<128x128xf32, #tpu.memory_space<hbm>>
    %dma_wait3A_213 = arith.constant 0 : i32
    %dma_wait3A_214 = tpu.memref_slice %arg5[%dma_wait3A_209, %mul3A_2, %dma_wait3A_213] : memref<50x4096x128xf32, #tpu.memory_space<hbm>> -> memref<1x128x128xf32, #tpu.memory_space<hbm>>
    %dma_wait3A_215 = tpu.memref_squeeze %dma_wait3A_214 : memref<1x128x128xf32, #tpu.memory_space<hbm>> -> memref<128x128xf32, #tpu.memory_space<hbm>>
    tpu.wait_dma2 semaphore(%arg26 : memref<!tpu.dma_semaphore, #tpu.memory_space<semaphore_mem>>) src(%arg11 : memref<128x128xf32, #tpu.memory_space<vmem>>) dst(%dma_wait3A_215 : memref<128x128xf32, #tpu.memory_space<hbm>>)
    return
  }
}

</mosaic_0001>

<sc_bundles>
// kernel: _run.3.cloned.1.call-start
scs
__scs_entry_jumppad:
0x0: {  	(pc) =	sbr.rel $0x88, $3  }
0x1: {  	(tag) =	ssettag $0x0;
	lr =	simm.s32 $0x1  }
0x2: {  	[smem:$0x3F9E] =	sst lr;
	_ =	strace $0xD0000000  }
0x3: {  	_ = 	snop  }
0x4: {  	_ = 	snop  }
0x5: {  	_ = 	snop  }
0x6: {  	_ = 	snop  }
0x7: {  	_ = 	snop  }
__scs_overlays_trampoline_lowered:
0x8: {  	[smem:$0x3FAD] =	sst s0  }
0x9: {  	[smem:$0x3FAE] =	sst s1  }
0xa: {  	[smem:$0x3FAF] =	sst s2  }
0xb: {  	[smem:$0x3FB0] =	sst s3  }
0xc: {  	[smem:$0x3FB1] =	sst s4  }
0xd: {  	[smem:$0x3FB2] =	sst s5  }
0xe: {  	[smem:$0x3FB3] =	sst s6  }
0xf: {  	[smem:$0x3FB4] =	sst s7  }
0x10: {  	[smem:$0x3FB5] =	sst s8  }
0x11: {  	[smem:$0x3FB6] =	sst s9;
	s0 =	simm.s32 @!p0 $0x0  }
0x12: {  	s1 =	sld [smem:$0x3F9C];
	s0 =	simm.s32 @p0 $0x1  }
0x13: {  	[smem:$0x3FB7] =	sst s0;
	s0 =	simm.s32 @!p1 $0x0  }
0x14: {  	s2 =	sld [smem:$0x3F9B];
	s0 =	simm.s32 @p1 $0x1  }
0x15: {  	[smem:$0x3FB8] =	sst s0;
	s0 =	simm.s32 @!p2 $0x0  }
0x16: {  	s3 =	sld [smem:$0x3FDB];
	s0 =	simm.s32 @p2 $0x1  }
0x17: {  	s4 =	simm.s32 $0x1BF5;
	[smem:$0x3FBA] =	sst s0  }
0x18: {  	s0 =	sld [smem:$0x3F9D];
	_ =	swait.ge [sflag:s4], $0x0  }
0x19: {  	s7 =	sld [smem:$0x3F9E]  }
0x1a: {  	s8 =	sadd.s32 $0xFFFFE003, lr  }
0x1b: {  	s9 =	sadd.s32 $0xFFFFFEF7, lr;
	s5 =	simm.s32 $0xFFFFFFFF;
	p2 =	slt.u32 s8, $0xFFFFF086  }
0x1c: {  	p1 =	slt.u32 s9, $0xF7A;
	s5 =	simm.s32 @!p2 $0x0  }
0x1d: {  	s5 =	simm.s32 @p1 $0x1;
	p0 =	seq.s32 s7, s2  }
0x1e: {  	s7 =	smul.u32 @!p0 $0xF7A, s2;
	p2 =	seq.s32 @!p0 s5, $0x0  }
0x1f: {  	s9 =	smul.u32 $0xF7A, s1;
	s8 =	simm.s32 @!p0 $0x1BF5;
	p2 =	por !p2, p0  }
0x20: {  	[sflag:s8] =	ssyncset.s32 @!p0 $0xFFFFF086;
	s6 =	sadd.s32 @!p0 s3, s7;
	s7 =	simm.s32 @!p0 $0x108  }
0x21: {  	s3 =	sadd.s32 s3, s9;
	s6 =	sadd.s32 @!p0 $0x88, s6;
	s7 =	simm.s32 @p2 $0x1082  }
0x22: {  	[simem:s7], [sflag:s8] =	dma.local @!p0 [hbm:s6], $0xF7A  }
0x23: {  	s9 =	sor.u32 $0xD0000000, s2;
	s6 =	simm.s32 $0x108;
	_ =	swait.ge @!p0 [sflag:s8], $0x0  }
0x24: {  	s3 =	sadd.s32 $0x88, s3;
	s6 =	simm.s32 @!p1 $0x1082;
	[sflag:s4] =	ssyncset.s32 $0xFFFFF086  }
0x25: {  	[simem:s6], [sflag:s4] =	dma.local [hbm:s3], $0xF7A  }
0x26: {  	[smem:$0x3F9E] =	sst s1;
	(tag) =	ssettag s2;
	_ =	strace s9  }
0x27: {  	s1 =	sld [smem:$0x3FAE]  }
0x28: {  	s2 =	sld [smem:$0x3FAF]  }
0x29: {  	s4 =	sld [smem:$0x3FB1]  }
0x2a: {  	p0 =	seq.s32 s5, $0x0;
	s5 =	sld [smem:$0x3FB2]  }
0x2b: {  	s6 =	sld [smem:$0x3FB3]  }
0x2c: {  	s7 =	sld [smem:$0x3FB4]  }
0x2d: {  	s3 =	simm.s32 $0x108;
	s8 =	sld [smem:$0x3FB5]  }
0x2e: {  	s3 =	simm.s32 @!p0 $0x1082;
	s9 =	sld [smem:$0x3FB6]  }
0x2f: {  	lr =	sadd.s32 s0, s3;
	s0 =	sld [smem:$0x3FAD]  }
0x30: {  	s3 =	sld [smem:$0x3FB0]  }
0x31: {  	[smem:$0x3FB9] =	sst s10  }
0x32: {  	s10 =	sld [smem:$0x3FB7];
	_ =	sdelay $0x3  }
0x33: {  	p0 =	seq.s32 s10, $0x1;
	s10 =	sld [smem:$0x3FB9];
	_ =	sdelay $0x3  }
0x34: {  	[smem:$0x3FB9] =	sst s10  }
0x35: {  	s10 =	sld [smem:$0x3FB8];
	_ =	sdelay $0x3  }
0x36: {  	p1 =	seq.s32 s10, $0x1;
	s10 =	sld [smem:$0x3FB9];
	_ =	sdelay $0x3  }
0x37: {  	[smem:$0x3FB9] =	sst s10  }
0x38: {  	s10 =	sld [smem:$0x3FBA]  }
0x39: {  	_ = 	snop;
	(pc) =	sbr.ind lr, $3  }
0x3a: {  	_ = 	snop  }
0x3b: {  	_ = 	snop  }
0x3c: {  	p2 =	seq.s32 s10, $0x1;
	s10 =	sld [smem:$0x3FB9]  }
0x3d: {  	_ =	shalt  }
0x3e: {  	_ =	shalt  }
0x3f: {  	_ =	shalt  }
0x40: {  	_ =	shalt  }
0x41: {  	_ =	shalt  }
0x42: {  	_ =	shalt  }
0x43: {  	_ =	shalt  }
0x44: {  	_ =	shalt  }
0x45: {  	_ =	shalt  }
0x46: {  	_ =	shalt  }
0x47: {  	_ =	shalt  }
0x48: {  	_ =	shalt  }
0x49: {  	_ =	shalt  }
0x4a: {  	_ =	shalt  }
0x4b: {  	_ =	shalt  }
0x4c: {  	_ =	shalt  }
0x4d: {  	_ =	shalt  }
0x4e: {  	_ =	shalt  }
0x4f: {  	_ =	shalt  }
0x50: {  	_ =	shalt  }
0x51: {  	_ =	shalt  }
0x52: {  	_ =	shalt  }
0x53: {  	_ =	shalt  }
0x54: {  	_ =	shalt  }
0x55: {  	_ =	shalt  }
0x56: {  	_ =	shalt  }
0x57: {  	_ =	shalt  }
0x58: {  	_ =	shalt  }
0x59: {  	_ =	shalt  }
0x5a: {  	_ =	shalt  }
0x5b: {  	_ =	shalt  }
0x5c: {  	_ =	shalt  }
0x5d: {  	_ =	shalt  }
0x5e: {  	_ =	shalt  }
0x5f: {  	_ =	shalt  }
0x60: {  	_ =	shalt  }
0x61: {  	_ =	shalt  }
0x62: {  	_ =	shalt  }
0x63: {  	_ =	shalt  }
0x64: {  	_ =	shalt  }
0x65: {  	_ =	shalt  }
0x66: {  	_ =	shalt  }
0x67: {  	_ =	shalt  }
0x68: {  	_ =	shalt  }
0x69: {  	_ =	shalt  }
0x6a: {  	_ =	shalt  }
0x6b: {  	_ =	shalt  }
0x6c: {  	_ =	shalt  }
0x6d: {  	_ =	shalt  }
0x6e: {  	_ =	shalt  }
0x6f: {  	_ =	shalt  }
0x70: {  	_ =	shalt  }
0x71: {  	_ =	shalt  }
0x72: {  	_ =	shalt  }
0x73: {  	_ =	shalt  }
0x74: {  	_ =	shalt  }
0x75: {  	_ =	shalt  }
0x76: {  	_ =	shalt  }
0x77: {  	_ =	shalt  }
0x78: {  	_ =	shalt  }
0x79: {  	_ =	shalt  }
0x7a: {  	_ =	shalt  }
0x7b: {  	_ =	shalt  }
0x7c: {  	_ =	shalt  }
0x7d: {  	_ =	shalt  }
0x7e: {  	_ =	shalt  }
0x7f: {  	_ =	shalt  }
0x80: {  	_ =	shalt  }
0x81: {  	_ =	shalt  }
0x82: {  	_ =	shalt  }
0x83: {  	_ =	shalt  }
0x84: {  	_ =	shalt  }
0x85: {  	_ =	shalt  }
0x86: {  	_ =	shalt  }
0x87: {  	_ =	shalt  }
.Lfunc_end0:
.L_simem_size_0:
called_computation_lowered:
.L_overlay_start_0:
0x88: {  	s2 =	sld [smem:$0x3FD9]  }
0x89: {  	s3 =	sld [smem:$0x3FFE];
	_ =	sdelay $0x1  }
0x8a: {  	s1 =	srdreg.scid  }
0x8b: {  	s0 =	sand.u32 $0x1, s1  }
0x8c: {  	s18 =	sshll.u32 s0, $0xA;
	s2 =	sadd.s32 s3, s2  }
0x8d: {  	s2 =	sadd.s32 s2, s18  }
0x8e: {  	[smem:$0x3FC5] =	sst s2  }
0x8f: {  	_ = 	snop  }
0x90: {  	s2 =	sld [smem:$0x3FC9]  }
0x91: {  	s19 =	sld [smem:$0x3FC8]  }
0x92: {  	s4 =	sld [smem:$0x3FC7]  }
0x93: {  	s5 =	sld [smem:$0x3FD0];
	(tm) =	ssettm $0x1  }
0x94: {  	s6 =	sld [smem:$0x3FFB];
	_ =	sdelay $0x3  }
0x95: {  	_ =	strace s6  }
0x96: {  	s6 =	sld [smem:$0x3FFC];
	_ =	sdelay $0x3  }
0x97: {  	_ =	strace s6  }
0x98: {  	s6 =	sld [smem:$0x3FFD];
	_ =	sdelay $0x3  }
0x99: {  	_ =	strace s6  }
0x9a: {  	_ =	strace $0x8FFFFFFF  }
0x9b: {  	s20 =	sld [smem:$0x3FDB];
	_ =	sdelay $0x1  }
0x9c: {  	s7 =	simm.s32 $_scs_section_size  }
0x9d: {  	s8 =	simm.s32 $_size__tile_overlayer_lowered;
	s9 =	simm.s32 $_tile_overlayer_lowered  }
0x9e: {  	s23 =	simm.s32 $0x1BFF;
	s22 =	sshll.u32 s9, $0x1;
	s6 =	sadd.s32 s7, s20  }
0x9f: {  	s10 =	simm.s32 $0x0;
	s21 =	sshll.u32 s8, $0x1;
	s8 =	sadd.s32 s22, s6  }
0xa0: {  	[timem:s10], [sflag:s23] =	dma.local [hbm:s8], s21  }
0xa1: {  	_ =	swait.ge [sflag:s23], s21  }
0xa2: {  	s7 =	ssub.s32 $0x0, s21;
	[sflag:s23] =	ssyncset.done $0x0  }
0xa3: {  	[sflag:s23] =	ssyncadd.s32 s7;
	_ =	sdelay $0x1  }
0xa4: {  	s24 =	simm.s32 $0x1B8B  }
0xa5: {  	_ =	swait.ge [sflag:s24], $0x1  }
0xa6: {  	[sflag:s24] =	ssyncset.done $0x0  }
0xa7: {  	s25 =	simm.s32 $0x1B8E;
	[sflag:s24] =	ssyncadd.s32 $0xFFFFFFFF  }
0xa8: {  	s26 =	simm.s32 $execute0_lowered;
	[smem:$0x3FD2] =	sst s25  }
0xa9: {  	s7 =	sshll.u32 s26, $0x1;
	_ =	strace $0x80000046;
	[dreg:$0x1] =	wrdreg $0xFFFFFFFF  }
0xaa: {  	s28 =	simm.s32 $_size_execute0_lowered;
	s6 =	sadd.s32 s6, s7;
	[dreg:$0x0] =	wrdreg $0x0  }
0xab: {  	s7 =	sshll.u32 s28, $0x1;
	[dreg:$0x2] =	wrdreg s6  }
0xac: {  	[dreg:$0x3] =	wrdreg s7  }
0xad: {  	[dreg:$0x4] =	wrdreg $0xC0  }
0xae: {  	_ =	task [dreg:s10], $0x5FFFF  }
0xaf: {  	[dreg:$0x1] =	wrdreg $0xFFFFFFFF  }
0xb0: {  	[dreg:$0x0] =	wrdreg $0x60  }
0xb1: {  	[dreg:$0x2] =	wrdreg s2  }
0xb2: {  	[dreg:$0x3] =	wrdreg s19  }
0xb3: {  	[dreg:$0x4] =	wrdreg s4  }
0xb4: {  	[dreg:$0x5] =	wrdreg s5  }
0xb5: {  	[dreg:$0x6] =	wrdreg $0x9  }
0xb6: {  	_ =	task.clear_ibuf [dreg:s10], $0x7FFFF;
	_ =	strace $0x90000046  }
0xb7: {  	s29 =	simm.s32 $0x9;
	_ =	strace $0x80000048  }
0xb8: {  	_ =	swait.ge [sflag:s29], $0x1  }
0xb9: {  	[sflag:s29] =	ssyncadd.s32 $0xFFFFFFFF  }
0xba: {  	_ =	strace $0x90000048  }
0xbb: {  	_ =	sfence  }
0xbc: {  	s30 =	sld [smem:$0x0];
	_ =	sdelay $0x2  }
0xbd: {  	s31 =	sshll.u32 s1, $0xD;
	s1 =	sshrl.u32 s1, $0x2  }
0xbe: {  	s3 =	sand.u32 $0x4000, s31;
	s1 =	sadd.s32 s1, s30  }
0xbf: {  	s0 =	sor.u32 s3, s0;
	s1 =	sshll.u32 s1, $0x11  }
0xc0: {  	s0 =	sor.u32 s1, s0  }
0xc1: {  	s0 =	sadd.s32 $0x8F2B, s0  }
0xc2: {  	[sflag:s0] =	ssyncadd.remote.s32 $0x1  }
0xc3: {  	_ =	sfence.sel $0xFFFF  }
0xc4: {  	[dreg:$0x0] =	wrdreg $0xFFFFFFFF;
	(pc) =	sbr.abs _section_cstart, $3  }
0xc5: {  	[dreg:$0x1] =	wrdreg $0xFFFFFFFF  }
0xc6: {  	_ =	task.clear_ibuf [dreg:s10], $0x2FFFF;
	_ =	strace $0x9FFFFFFF  }
0xc7: {  	(tm) =	ssettm $0x7FFFFFFF  }
tec
execute0_lowered:
.L_overlay_start_1:
0x0: {  	(tag) =	ssettag $0x1  }
0x1: {  	s0 =	rddreg [dreg:$0x0]  }
0x2: {  	s1 =	rddreg [dreg:$0x1]  }
0x3: {  	s3 =	rddreg [dreg:$0x2]  }
0x4: {  	s2 =	rddreg [dreg:$0x3]  }
0x5: {  	s4 =	srdreg.scid;
	s9 =	stileid.u32  }
0x6: {  	s28 =	simm.s32 $0x6;
	s30 =	simm.s32 $0x7;
	s29 =	simm.s32 $0x9C00  }
0x7: {  	s31 =	simm.s32 $0xDC00;
	s5 =	sand.u32 $0x1, s4;
	s4 =	simm.s32 $0x0  }
0x8: {  	s6 =	sshll.u32 s9, $0x8;
	s14 =	sshll.u32 s9, $0xF;
	s9 =	simm.s32 $0xB  }
0x9: {  	s7 =	sshll.u32 s5, $0x7;
	[smem:$0x7FF] =	sst s4;
	s8 =	ssub.s32 $0x2, s5  }
0xa: {  	s5 =	sshll.u32 s5, $0xE;
	s6 =	sor.u32 s7, s6;
	_ =	strace $0x80000047  }
0xb: {  	s11 =	sshrl.u32 s8, $0x1;
	s5 =	sor.u32 s5, s14;
	s10 =	sadd.s32 s0, s6  }
0xc: {  	s12 =	ssub.s32 s8, s11;
	s6 =	sshll.u32 s6, $0x4;
	s19 =	sor.u32 $0x200000, s5  }
0xd: {  	s20 =	sshrl.u32 s5, $0x3;
	s23 =	sor.u32 $0x180000, s5;
	s24 =	sor.u32 $0x100000, s5  }
0xe: {  	s5 =	sor.u32 $0x80000, s5;
	s8 =	simm.s32 $0xA;
	s11 =	simm.s32 $0xE  }
0xf: {  	[dreg:$0x5] =	wrdreg s10;
	s13 =	sadd.s32 $0x6000, s10;
	s6 =	sadd.s32 s6, s2  }
0x10: {  	s7 =	sshrl.u32 s19, $0x3;
	s0 =	smax.u32 s12, $0x1;
	[dreg:$0x6] =	wrdreg s13  }
0x11: {  	s21 =	sadd.s32 s20, s2;
	s5 =	sshrl.u32 s5, $0x3;
	[dreg:$0xc] =	wrdreg s0  }
0x12: {  	s19 =	simm.s32 $0x4;
	s15 =	sadd.s32 $0x2D0000, s6;
	[dreg:$0xd] =	wrdreg s21  }
0x13: {  	s10 =	simm.s32 $0xD;
	s16 =	sadd.s32 $0x2E0000, s6;
	[dreg:$0x7] =	wrdreg s15  }
0x14: {  	s12 =	simm.s32 $0xF;
	s17 =	sadd.s32 $0x2F0000, s6;
	[dreg:$0x8] =	wrdreg s16  }
0x15: {  	s18 =	sadd.s32 $0x300000, s6;
	s6 =	sadd.s32 $0x310000, s6;
	[dreg:$0x9] =	wrdreg s17  }
0x16: {  	s22 =	sadd.s32 s7, s2;
	s0 =	sshrl.u32 s23, $0x3;
	[dreg:$0xa] =	wrdreg s18  }
0x17: {  	s26 =	sadd.s32 s5, s2;
	s7 =	simm.s32 $0x9;
	[dreg:$0xb] =	wrdreg s6  }
0x18: {  	s5 =	simm.s32 $0xC;
	[dreg:$0xe] =	wrdreg s22;
	s6 =	sshrl.u32 s24, $0x3  }
0x19: {  	s0 =	sadd.s32 s0, s2;
	[dreg:$0x11] =	wrdreg s26;
	s16 =	simm.s32 $0x1800  }
0x1a: {  	s22 =	simm.s32 $0x80;
	s18 =	simm.s32 $0x3;
	[dreg:$0xf] =	wrdreg s0  }
0x1b: {  	s25 =	sadd.s32 s6, s2;
	s2 =	simm.s32 $0x2;
	s6 =	simm.s32 $0x8  }
0x1c: {  	s0 =	simm.s32 $0x0;
	[dreg:$0x10] =	wrdreg s25;
	s25 =	simm.s32 $0x5  }
.LBB2_1:
0x1d: {  	[dreg:$0x12] =	wrdreg s0  }
0x1e: {  	s13 =	rddreg [dreg:$0x5];
	s14 =	simm.s32 $0x400;
	s15 =	simm.s32 $0x8000  }
0x1f: {  	[tilespmem:s4], [sflag:$0x10] =	stream.strided.gather [hbm4b:s13+s14], $0x1800, s15, s14, $0x38;
	[tilespmem:$0x15C00] =	vst v63  }
0x20: {  	s0 =	rddreg [dreg:$0x6];
	s14 =	simm.s32 $0x10  }
0x21: {  	[tilespmem:s16], [sflag:$0x10] =	stream.linear.gather [hbm4b:s0+s4], $0x100, $0x38;
	[tilespmem:$0x15C00] =	vst v63  }
0x22: {  	_ =	swait.ge [sflag:s14], $0x1900  }
0x23: {  	[sflag:s14] =	ssyncset.done $0x0  }
0x24: {  	s21 =	simm.s32 $0x1C00;
	[sflag:s14] =	ssyncadd.s32 $0xFFFFE700  }
0x25: {  	[tilespmem:s21], [sflag:$0x1] =	stream.indirect.gather [hbm4b:s1+s22], $0x80, s4, s22, $0xb8;
	[tilespmem:$0x15C00] =	vst v63  }
0x26: {  	s23 =	simm.s32 $0x5C00  }
0x27: {  	[tilespmem:s23], [sflag:$0x2] =	stream.indirect.gather [hbm4b:s1+s22], $0x80, s22, s22, $0xb8;
	[tilespmem:$0x15C00] =	vst v63  }
0x28: {  	s24 =	simm.s32 $0x9C00;
	s15 =	simm.s32 $0x100  }
0x29: {  	[tilespmem:s24], [sflag:$0x3] =	stream.indirect.gather [hbm4b:s1+s22], $0x80, s15, s22, $0xb8;
	[tilespmem:$0x15C00] =	vst v63  }
0x2a: {  	s26 =	simm.s32 $0xDC00;
	s16 =	simm.s32 $0x180  }
0x2b: {  	[tilespmem:s26], [sflag:$0x4] =	stream.indirect.gather [hbm4b:s1+s22], $0x80, s16, s22, $0xb8;
	[tilespmem:$0x15C00] =	vst v63  }
0x2c: {  	s17 =	simm.s32 $0x200;
	s20 =	simm.s32 $0x1;
	s0 =	simm.s32 $0x11C00  }
0x2d: {  	[tilespmem:s0], [sflag:$0x5] =	stream.indirect.gather [hbm4b:s1+s22], $0x80, s17, s22, $0xb8;
	[tilespmem:$0x15C00] =	vst v63  }
0x2e: {  	_ =	swait.ge [sflag:s20], $0x4000  }
0x2f: {  	[sflag:s20] =	ssyncset.done $0x0  }
0x30: {  	s14 =	simm.s32 $0x0;
	[sflag:s20] =	ssyncadd.s32 $0xFFFFC000  }
0x31: {  	[tilespmem:s21], [sflag:$0x6] =	stream.indirect.gather.add.f32 [hbm:s3], $0x80, s14, s22, $0xb8;
	[tilespmem:$0x15C00] =	vst v63  }
0x32: {  	_ =	swait.ge [sflag:s2], $0x4000  }
0x33: {  	[sflag:s2] =	ssyncset.done $0x0  }
0x34: {  	s15 =	simm.s32 $0x80;
	[sflag:s2] =	ssyncadd.s32 $0xFFFFC000  }
0x35: {  	[tilespmem:s23], [sflag:$0x7] =	stream.indirect.gather.add.f32 [hbm:s3], $0x80, s15, s22, $0xb8;
	[tilespmem:$0x15C00] =	vst v63  }
0x36: {  	_ =	swait.ge [sflag:s18], $0x4000  }
0x37: {  	[sflag:s18] =	ssyncset.done $0x0  }
0x38: {  	s16 =	simm.s32 $0x100;
	[sflag:s18] =	ssyncadd.s32 $0xFFFFC000  }
0x39: {  	[tilespmem:s24], [sflag:$0x8] =	stream.indirect.gather.add.f32 [hbm:s3], $0x80, s16, s22, $0xb8;
	[tilespmem:$0x15C00] =	vst v63  }
0x3a: {  	_ =	swait.ge [sflag:s19], $0x4000  }
0x3b: {  	[sflag:s19] =	ssyncset.done $0x0  }
0x3c: {  	s17 =	simm.s32 $0x180;
	[sflag:s19] =	ssyncadd.s32 $0xFFFFC000  }
0x3d: {  	[tilespmem:s26], [sflag:$0x9] =	stream.indirect.gather.add.f32 [hbm:s3], $0x80, s17, s22, $0xb8;
	[tilespmem:$0x15C00] =	vst v63  }
0x3e: {  	_ =	swait.ge [sflag:s25], $0x4000  }
0x3f: {  	[sflag:s25] =	ssyncset.done $0x0  }
0x40: {  	s20 =	simm.s32 $0x200;
	[sflag:s25] =	ssyncadd.s32 $0xFFFFC000  }
0x41: {  	[tilespmem:s0], [sflag:$0xA] =	stream.indirect.gather.add.f32 [hbm:s3], $0x80, s20, s22, $0xb8;
	[tilespmem:$0x15C00] =	vst v63  }
0x42: {  	_ =	swait.ge [sflag:s28], $0x4000  }
0x43: {  	[sflag:s28] =	ssyncset.done $0x0  }
0x44: {  	s17 =	rddreg [dreg:$0xd];
	[sflag:s28] =	ssyncadd.s32 $0xFFFFC000  }
0x45: {  	[hbm4b:s17+s4] =	stream.linear.scatter [tilespmem:s21], [sflag:$0xB], $0x4000, $0x38;
	[tilespmem:$0x15C00] =	vst v63  }
0x46: {  	_ =	swait.ge [sflag:s30], $0x4000  }
0x47: {  	[sflag:s30] =	ssyncset.done $0x0  }
0x48: {  	s20 =	rddreg [dreg:$0x11];
	[sflag:s30] =	ssyncadd.s32 $0xFFFFC000  }
0x49: {  	[hbm4b:s20+s4] =	stream.linear.scatter [tilespmem:s23], [sflag:$0xC], $0x4000, $0x38;
	[tilespmem:$0x15C00] =	vst v63  }
0x4a: {  	_ =	swait.ge [sflag:s6], $0x4000  }
0x4b: {  	[sflag:s6] =	ssyncset.done $0x0  }
0x4c: {  	s14 =	rddreg [dreg:$0x10];
	[sflag:s6] =	ssyncadd.s32 $0xFFFFC000  }
0x4d: {  	[hbm4b:s14+s4] =	stream.linear.scatter [tilespmem:s24], [sflag:$0xD], $0x4000, $0x38;
	[tilespmem:$0x15C00] =	vst v63  }
0x4e: {  	_ =	swait.ge [sflag:s7], $0x4000  }
0x4f: {  	[sflag:s7] =	ssyncset.done $0x0  }
0x50: {  	s16 =	rddreg [dreg:$0xf];
	[sflag:s7] =	ssyncadd.s32 $0xFFFFC000  }
0x51: {  	[hbm4b:s16+s4] =	stream.linear.scatter [tilespmem:s26], [sflag:$0xE], $0x4000, $0x38;
	[tilespmem:$0x15C00] =	vst v63  }
0x52: {  	_ =	swait.ge [sflag:s8], $0x4000  }
0x53: {  	[sflag:s8] =	ssyncset.done $0x0  }
0x54: {  	s15 =	rddreg [dreg:$0xe];
	[sflag:s8] =	ssyncadd.s32 $0xFFFFC000  }
0x55: {  	[hbm4b:s15+s4] =	stream.linear.scatter [tilespmem:s0], [sflag:$0xF], $0x4000, $0x38;
	[tilespmem:$0x15C00] =	vst v63  }
0x56: {  	_ =	swait.ge [sflag:s9], $0x4000  }
0x57: {  	[sflag:s9] =	ssyncset.done $0x0  }
0x58: {  	s0 =	simm.s32 $0x280;
	[sflag:s9] =	ssyncadd.s32 $0xFFFFC000  }
0x59: {  	[tilespmem:s21], [sflag:$0x1] =	stream.indirect.gather [hbm4b:s1+s22], $0x80, s0, s22, $0xb8;
	[tilespmem:$0x15C00] =	vst v63  }
0x5a: {  	_ =	swait.ge [sflag:s5], $0x4000  }
0x5b: {  	[sflag:s5] =	ssyncset.done $0x0  }
0x5c: {  	s21 =	simm.s32 $0x300;
	[sflag:s5] =	ssyncadd.s32 $0xFFFFC000  }
0x5d: {  	[tilespmem:s23], [sflag:$0x2] =	stream.indirect.gather [hbm4b:s1+s22], $0x80, s21, s22, $0xb8;
	[tilespmem:$0x15C00] =	vst v63  }
0x5e: {  	_ =	swait.ge [sflag:s10], $0x4000  }
0x5f: {  	[sflag:s10] =	ssyncset.done $0x0  }
0x60: {  	s23 =	simm.s32 $0x380;
	[sflag:s10] =	ssyncadd.s32 $0xFFFFC000  }
0x61: {  	[tilespmem:s24], [sflag:$0x3] =	stream.indirect.gather [hbm4b:s1+s22], $0x80, s23, s22, $0xb8;
	[tilespmem:$0x15C00] =	vst v63  }
0x62: {  	_ =	swait.ge [sflag:s11], $0x4000  }
0x63: {  	[sflag:s11] =	ssyncset.done $0x0  }
0x64: {  	s17 =	sadd.s32 $0x50000, s17;
	s24 =	simm.s32 $0x400;
	[sflag:s11] =	ssyncadd.s32 $0xFFFFC000  }
0x65: {  	[tilespmem:s26], [sflag:$0x4] =	stream.indirect.gather [hbm4b:s1+s22], $0x80, s24, s22, $0xb8;
	[tilespmem:$0x15C00] =	vst v63  }
0x66: {  	s13 =	sadd.s32 $0x50000, s14;
	s14 =	sadd.s32 $0x50000, s20;
	_ =	swait.ge [sflag:s12], $0x4000  }
0x67: {  	s20 =	simm.s32 $0x480;
	s16 =	sadd.s32 $0x50000, s16;
	[sflag:s12] =	ssyncset.done $0x0  }
0x68: {  	s15 =	sadd.s32 $0x50000, s15;
	s21 =	simm.s32 $0xA00;
	[sflag:s12] =	ssyncadd.s32 $0xFFFFC000  }
.LBB2_2:
0x69: {  	s0 =	simm.s32 $0x11C00  }
0x6a: {  	[tilespmem:s0], [sflag:$0x5] =	stream.indirect.gather [hbm4b:s1+s22], $0x80, s20, s22, $0xb8;
	[tilespmem:$0x15C00] =	vst v63  }
0x6b: {  	s23 =	simm.s32 $0x1;
	s20 =	smov.u32 s21  }
0x6c: {  	p0 =	sne.s32 s21, $0x5000;
	s21 =	sadd.s32 $0xA00, s21;
	_ =	swait.ge [sflag:s23], $0x4000  }
0x6d: {  	[sflag:s23] =	ssyncset.done $0x0  }
0x6e: {  	s24 =	simm.s32 $0x1C00;
	s20 =	sshra.s32 s20, $0x2;
	[sflag:s23] =	ssyncadd.s32 $0xFFFFC000  }
0x6f: {  	[tilespmem:s24], [sflag:$0x6] =	stream.indirect.gather.add.f32 [hbm:s3], $0x80, s20, s22, $0xb8;
	[tilespmem:$0x15C00] =	vst v63  }
0x70: {  	_ =	swait.ge [sflag:s2], $0x4000  }
0x71: {  	[sflag:s2] =	ssyncset.done $0x0  }
0x72: {  	s26 =	simm.s32 $0x5C00;
	s23 =	sadd.s32 $0x80, s20;
	[sflag:s2] =	ssyncadd.s32 $0xFFFFC000  }
0x73: {  	[tilespmem:s26], [sflag:$0x7] =	stream.indirect.gather.add.f32 [hbm:s3], $0x80, s23, s22, $0xb8;
	[tilespmem:$0x15C00] =	vst v63  }
0x74: {  	_ =	swait.ge [sflag:s18], $0x4000  }
0x75: {  	[sflag:s18] =	ssyncset.done $0x0  }
0x76: {  	s23 =	sadd.s32 $0x100, s20;
	[sflag:s18] =	ssyncadd.s32 $0xFFFFC000  }
0x77: {  	[tilespmem:s29], [sflag:$0x8] =	stream.indirect.gather.add.f32 [hbm:s3], $0x80, s23, s22, $0xb8;
	[tilespmem:$0x15C00] =	vst v63  }
0x78: {  	_ =	swait.ge [sflag:s19], $0x4000  }
0x79: {  	[sflag:s19] =	ssyncset.done $0x0  }
0x7a: {  	s23 =	sadd.s32 $0x180, s20;
	[sflag:s19] =	ssyncadd.s32 $0xFFFFC000  }
0x7b: {  	[tilespmem:s31], [sflag:$0x9] =	stream.indirect.gather.add.f32 [hbm:s3], $0x80, s23, s22, $0xb8;
	[tilespmem:$0x15C00] =	vst v63  }
0x7c: {  	_ =	swait.ge [sflag:s25], $0x4000  }
0x7d: {  	[sflag:s25] =	ssyncset.done $0x0  }
0x7e: {  	s23 =	sadd.s32 $0x200, s20;
	[sflag:s25] =	ssyncadd.s32 $0xFFFFC000  }
0x7f: {  	[tilespmem:s0], [sflag:$0xA] =	stream.indirect.gather.add.f32 [hbm:s3], $0x80, s23, s22, $0xb8;
	[tilespmem:$0x15C00] =	vst v63  }
0x80: {  	_ =	swait.ge [sflag:s28], $0x4000  }
0x81: {  	[sflag:s28] =	ssyncset.done $0x0  }
0x82: {  	[sflag:s28] =	ssyncadd.s32 $0xFFFFC000  }
0x83: {  	[hbm4b:s17+s4] =	stream.linear.scatter [tilespmem:s24], [sflag:$0xB], $0x4000, $0x38;
	[tilespmem:$0x15C00] =	vst v63  }
0x84: {  	_ =	swait.ge [sflag:s30], $0x4000  }
0x85: {  	[sflag:s30] =	ssyncset.done $0x0  }
0x86: {  	[sflag:s30] =	ssyncadd.s32 $0xFFFFC000  }
0x87: {  	[hbm4b:s14+s4] =	stream.linear.scatter [tilespmem:s26], [sflag:$0xC], $0x4000, $0x38;
	[tilespmem:$0x15C00] =	vst v63  }
0x88: {  	_ =	swait.ge [sflag:s6], $0x4000  }
0x89: {  	[sflag:s6] =	ssyncset.done $0x0  }
0x8a: {  	[sflag:s6] =	ssyncadd.s32 $0xFFFFC000  }
0x8b: {  	[hbm4b:s13+s4] =	stream.linear.scatter [tilespmem:s29], [sflag:$0xD], $0x4000, $0x38;
	[tilespmem:$0x15C00] =	vst v63  }
0x8c: {  	_ =	swait.ge [sflag:s7], $0x4000  }
0x8d: {  	[sflag:s7] =	ssyncset.done $0x0  }
0x8e: {  	[sflag:s7] =	ssyncadd.s32 $0xFFFFC000  }
0x8f: {  	[hbm4b:s16+s4] =	stream.linear.scatter [tilespmem:s31], [sflag:$0xE], $0x4000, $0x38;
	[tilespmem:$0x15C00] =	vst v63  }
0x90: {  	_ =	swait.ge [sflag:s8], $0x4000  }
0x91: {  	[sflag:s8] =	ssyncset.done $0x0  }
0x92: {  	[sflag:s8] =	ssyncadd.s32 $0xFFFFC000  }
0x93: {  	[hbm4b:s15+s4] =	stream.linear.scatter [tilespmem:s0], [sflag:$0xF], $0x4000, $0x38;
	[tilespmem:$0x15C00] =	vst v63  }
0x94: {  	_ =	swait.ge [sflag:s9], $0x4000  }
0x95: {  	[sflag:s9] =	ssyncset.done $0x0  }
0x96: {  	s23 =	sadd.s32 $0x280, s20;
	[sflag:s9] =	ssyncadd.s32 $0xFFFFC000  }
0x97: {  	[tilespmem:s24], [sflag:$0x1] =	stream.indirect.gather [hbm4b:s1+s22], $0x80, s23, s22, $0xb8;
	[tilespmem:$0x15C00] =	vst v63  }
0x98: {  	_ =	swait.ge [sflag:s5], $0x4000  }
0x99: {  	[sflag:s5] =	ssyncset.done $0x0  }
0x9a: {  	s23 =	sadd.s32 $0x300, s20;
	[sflag:s5] =	ssyncadd.s32 $0xFFFFC000  }
0x9b: {  	[tilespmem:s26], [sflag:$0x2] =	stream.indirect.gather [hbm4b:s1+s22], $0x80, s23, s22, $0xb8;
	[tilespmem:$0x15C00] =	vst v63  }
0x9c: {  	_ =	swait.ge [sflag:s10], $0x4000  }
0x9d: {  	[sflag:s10] =	ssyncset.done $0x0  }
0x9e: {  	s23 =	sadd.s32 $0x380, s20;
	[sflag:s10] =	ssyncadd.s32 $0xFFFFC000  }
0x9f: {  	[tilespmem:s29], [sflag:$0x3] =	stream.indirect.gather [hbm4b:s1+s22], $0x80, s23, s22, $0xb8;
	[tilespmem:$0x15C00] =	vst v63  }
0xa0: {  	_ =	swait.ge [sflag:s11], $0x4000  }
0xa1: {  	[sflag:s11] =	ssyncset.done $0x0  }
.Ltmp0:
0xa2: {  	s23 =	sadd.s32 $0x400, s20;
	[sflag:s11] =	ssyncadd.s32 $0xFFFFC000;
	(pc) =	sbr.rel @p0 .LBB2_2-.Ltmp0, $4  }
0xa3: {  	[tilespmem:s31], [sflag:$0x4] =	stream.indirect.gather [hbm4b:s1+s22], $0x80, s23, s22, $0xb8;
	[tilespmem:$0x15C00] =	vst v63  }
0xa4: {  	s14 =	sadd.s32 $0x50000, s14;
	s13 =	sadd.s32 $0x50000, s13;
	_ =	swait.ge [sflag:s12], $0x4000  }
0xa5: {  	s16 =	sadd.s32 $0x50000, s16;
	s15 =	sadd.s32 $0x50000, s15;
	[sflag:s12] =	ssyncset.done $0x0  }
0xa6: {  	s17 =	sadd.s32 $0x50000, s17;
	s20 =	sadd.s32 $0x480, s20;
	[sflag:s12] =	ssyncadd.s32 $0xFFFFC000  }
0xa7: {  	s0 =	simm.s32 $0x11C00;
	s13 =	simm.s32 $0x1  }
0xa8: {  	[tilespmem:s0], [sflag:$0x5] =	stream.indirect.gather [hbm4b:s1+s22], $0x80, s20, s22, $0xb8;
	[tilespmem:$0x15C00] =	vst v63  }
0xa9: {  	_ =	swait.ge [sflag:s13], $0x4000  }
0xaa: {  	[sflag:s13] =	ssyncset.done $0x0  }
0xab: {  	s14 =	simm.s32 $0x1C00;
	s17 =	simm.s32 $0x1680;
	[sflag:s13] =	ssyncadd.s32 $0xFFFFC000  }
0xac: {  	[tilespmem:s14], [sflag:$0x6] =	stream.indirect.gather.add.f32 [hbm:s3], $0x80, s17, s22, $0xb8;
	[tilespmem:$0x15C00] =	vst v63  }
0xad: {  	_ =	swait.ge [sflag:s2], $0x4000  }
0xae: {  	[sflag:s2] =	ssyncset.done $0x0  }
0xaf: {  	s15 =	simm.s32 $0x5C00;
	s20 =	simm.s32 $0x1700;
	[sflag:s2] =	ssyncadd.s32 $0xFFFFC000  }
0xb0: {  	[tilespmem:s15], [sflag:$0x7] =	stream.indirect.gather.add.f32 [hbm:s3], $0x80, s20, s22, $0xb8;
	[tilespmem:$0x15C00] =	vst v63  }
0xb1: {  	_ =	swait.ge [sflag:s18], $0x4000  }
0xb2: {  	[sflag:s18] =	ssyncset.done $0x0  }
0xb3: {  	s21 =	simm.s32 $0x1780;
	s17 =	simm.s32 $0x9C00;
	[sflag:s18] =	ssyncadd.s32 $0xFFFFC000  }
0xb4: {  	[tilespmem:s17], [sflag:$0x8] =	stream.indirect.gather.add.f32 [hbm:s3], $0x80, s21, s22, $0xb8;
	[tilespmem:$0x15C00] =	vst v63  }
0xb5: {  	_ =	swait.ge [sflag:s19], $0x4000  }
0xb6: {  	[sflag:s19] =	ssyncset.done $0x0  }
0xb7: {  	s16 =	simm.s32 $0x1800;
	s23 =	simm.s32 $0xDC00;
	[sflag:s19] =	ssyncadd.s32 $0xFFFFC000  }
0xb8: {  	[tilespmem:s23], [sflag:$0x9] =	stream.indirect.gather.add.f32 [hbm:s3], $0x80, s16, s22, $0xb8;
	[tilespmem:$0x15C00] =	vst v63  }
0xb9: {  	_ =	swait.ge [sflag:s25], $0x4000  }
0xba: {  	[sflag:s25] =	ssyncset.done $0x0  }
0xbb: {  	s24 =	simm.s32 $0x1880;
	[sflag:s25] =	ssyncadd.s32 $0xFFFFC000  }
0xbc: {  	[tilespmem:s0], [sflag:$0xA] =	stream.indirect.gather.add.f32 [hbm:s3], $0x80, s24, s22, $0xb8;
	[tilespmem:$0x15C00] =	vst v63  }
0xbd: {  	_ =	swait.ge [sflag:s28], $0x4000  }
0xbe: {  	[sflag:s28] =	ssyncset.done $0x0  }
0xbf: {  	s26 =	rddreg [dreg:$0x7];
	[sflag:s28] =	ssyncadd.s32 $0xFFFFC000  }
0xc0: {  	[hbm4b:s26+s4] =	stream.linear.scatter [tilespmem:s14], [sflag:$0xB], $0x4000, $0x38;
	[tilespmem:$0x15C00] =	vst v63  }
0xc1: {  	_ =	swait.ge [sflag:s30], $0x4000  }
0xc2: {  	[sflag:s30] =	ssyncset.done $0x0  }
0xc3: {  	s14 =	rddreg [dreg:$0x8];
	[sflag:s30] =	ssyncadd.s32 $0xFFFFC000  }
0xc4: {  	[hbm4b:s14+s4] =	stream.linear.scatter [tilespmem:s15], [sflag:$0xC], $0x4000, $0x38;
	[tilespmem:$0x15C00] =	vst v63  }
0xc5: {  	_ =	swait.ge [sflag:s6], $0x4000  }
0xc6: {  	[sflag:s6] =	ssyncset.done $0x0  }
0xc7: {  	s15 =	rddreg [dreg:$0x9];
	[sflag:s6] =	ssyncadd.s32 $0xFFFFC000  }
0xc8: {  	[hbm4b:s15+s4] =	stream.linear.scatter [tilespmem:s17], [sflag:$0xD], $0x4000, $0x38;
	[tilespmem:$0x15C00] =	vst v63  }
0xc9: {  	_ =	swait.ge [sflag:s7], $0x4000  }
0xca: {  	[sflag:s7] =	ssyncset.done $0x0  }
0xcb: {  	s21 =	rddreg [dreg:$0xa];
	[sflag:s7] =	ssyncadd.s32 $0xFFFFC000  }
0xcc: {  	[hbm4b:s21+s4] =	stream.linear.scatter [tilespmem:s23], [sflag:$0xE], $0x4000, $0x38;
	[tilespmem:$0x15C00] =	vst v63  }
0xcd: {  	_ =	swait.ge [sflag:s8], $0x4000  }
0xce: {  	[sflag:s8] =	ssyncset.done $0x0  }
0xcf: {  	s23 =	rddreg [dreg:$0xb];
	[sflag:s8] =	ssyncadd.s32 $0xFFFFC000  }
0xd0: {  	[hbm4b:s23+s4] =	stream.linear.scatter [tilespmem:s0], [sflag:$0xF], $0x4000, $0x38;
	[tilespmem:$0x15C00] =	vst v63  }
0xd1: {  	_ =	swait.ge [sflag:s9], $0x4000  }
0xd2: {  	[sflag:s9] =	ssyncset.done $0x0  }
0xd3: {  	[sflag:s9] =	ssyncadd.s32 $0xFFFFC000  }
0xd4: {  	_ =	swait.ge [sflag:s5], $0x4000  }
0xd5: {  	[sflag:s5] =	ssyncset.done $0x0  }
0xd6: {  	[sflag:s5] =	ssyncadd.s32 $0xFFFFC000  }
0xd7: {  	_ =	swait.ge [sflag:s10], $0x4000  }
0xd8: {  	[sflag:s10] =	ssyncset.done $0x0  }
0xd9: {  	[sflag:s10] =	ssyncadd.s32 $0xFFFFC000  }
0xda: {  	_ =	swait.ge [sflag:s11], $0x4000  }
0xdb: {  	[sflag:s11] =	ssyncset.done $0x0  }
0xdc: {  	[sflag:s11] =	ssyncadd.s32 $0xFFFFC000  }
0xdd: {  	_ =	swait.ge [sflag:s12], $0x4000  }
0xde: {  	s24 =	rddreg [dreg:$0x12]  }
0xdf: {  	s26 =	rddreg [dreg:$0xc];
	s0 =	sadd.s32 $0x1, s24  }
0xe0: {  	p0 =	sne.s32 s0, s26  }
.Ltmp1:
0xe1: {  	_ = 	snop;
	(pc) =	sbr.rel @p0 .LBB2_1-.Ltmp1, $3  }
0xe2: {  	_ =	sdelay $0x1  }
0xe3: {  	[sflag:s12] =	ssyncset.done $0x0  }
0xe4: {  	[sflag:s12] =	ssyncadd.s32 $0xFFFFC000  }
0xe5: {  	_ =	sfence.sel $0x180000  }
0xe6: {  	[bflag:$0x0] =	sbarrier.arrive $0xFFFF  }
0xe7: {  	_ =	strace $0x90000047  }
0xe8: {  	s0 =	stileid.u32;
	[bflag:$0x2] =	sbarrier.arrive $0xFFFF  }
0xe9: {  	p0 =	sne.s32 s0, $0x0;
	s0 =	rddreg [dreg:$0x4]  }
0xea: {  	s0 =	sadd.s32 @!p0 $0x100000, s0  }
0xeb: {  	[sflag:s0] =	ssyncadd.tile.s32 @!p0 $0x1;
	_ =	shalt  }
.Lfunc_end2:
_tile_overlayer_lowered:
.L_overlay_start_2:
0xec: {  	(tag) =	ssettag $0x2  }
0xed: {  	s0 =	rddreg [dreg:$0x0];
	s2 =	stileid.u32  }
0xee: {  	s1 =	rddreg [dreg:$0x1];
	p0 =	sne.s32 s2, $0x0  }
0xef: {  	s3 =	rddreg [dreg:$0x2];
	[bflag:$0x3] =	sbarrier.arrive $0xFFFF;
	s2 =	simm.s32 @!p0 $0x1C10  }
0xf0: {  	[timem:s3], [sflag:s2] =	dma.local @!p0 [hbm:s0], s1  }
0xf1: {  	s0 =	simm.s32 @!p0 $0x10  }
0xf2: {  	_ =	swait.ge @!p0 [sflag:s0], s1  }
0xf3: {  	s1 =	ssub.s32 @!p0 $0x0, s1;
	[sflag:s0] =	ssyncset.done @!p0 $0x0  }
0xf4: {  	[sflag:s0] =	ssyncadd.s32 @!p0 s1  }
0xf5: {  	[bflag:$0x3] =	sbarrier.arrive $0xFFFF  }
0xf6: {  	_ =	shalt  }

</sc_bundles>
